<compile_context>
chip_gen: v7x
topology: tpu7x:2x2x1
jax: 0.10.2.dev20260603
libtpu: 0.0.44.dev20260713+nightly
codegen_flags: <defaults>
</compile_context>

<pallas_src>
import functools

import jax
import jax.numpy as jnp
from jax import lax
from jax.experimental import pallas as pl
from jax.experimental.pallas import tpu as pltpu, tpu_sc as plsc

_NUM_CAMS = 100000
_D = 9


@functools.cache
def _make_gather(B):
    info = plsc.get_sparse_core_info()
    NC, NS = info.num_cores, info.num_subcores
    NW = NC * NS
    b_per_w = B // NW
    assert B % NW == 0 and b_per_w % 8 == 0
    mesh = plsc.VectorSubcoreMesh(core_axis_name="c", subcore_axis_name="s")

    @functools.partial(
        pl.kernel,
        mesh=mesh,
        compiler_params=pltpu.CompilerParams(
            use_tc_tiling_on_sc=False, needs_layout_passes=False
        ),
        out_type=jax.ShapeDtypeStruct((B * _D,), jnp.float32),
        scratch_types=[
            pltpu.VMEM((b_per_w,), jnp.int32),
            pltpu.VMEM((b_per_w * _D,), jnp.float32),
            [pltpu.SemaphoreType.DMA for _ in range(_D)],
            pltpu.SemaphoreType.DMA,
        ],
    )
    def k(idx_hbm, table_hbm, out_hbm, idx_v, rows_v, sems, out_sem):
        wid = lax.axis_index("s") * NC + lax.axis_index("c")
        pltpu.sync_copy(idx_hbm.at[pl.ds(wid * b_per_w, b_per_w)], idx_v)
        gathers = [
            pltpu.async_copy(
                table_hbm.at[pl.ds(kk * _NUM_CAMS, _NUM_CAMS)].at[idx_v],
                rows_v.at[pl.ds(kk * b_per_w, b_per_w)],
                sems[kk],
            )
            for kk in range(_D)
        ]
        outs = []
        for kk in range(_D):
            gathers[kk].wait()
            outs.append(
                pltpu.async_copy(
                    rows_v.at[pl.ds(kk * b_per_w, b_per_w)],
                    out_hbm.at[pl.ds(kk * B + wid * b_per_w, b_per_w)],
                    out_sem,
                )
            )
        for o in outs:
            o.wait()

    return k


def kernel(i, param):
    B = i.shape[0]
    table = param.transpose(1, 2, 0).reshape(-1)
    out = _make_gather(B)(i.astype(jnp.int32), table)
    return out.reshape(3, 3, B).transpose(2, 0, 1)

# --- scband reference (transcript-rebuilt; emitter-appended) ---
"""Pipeline reference for scband-learn-focal-51926154609005 (READ-ONLY COPY).

The authoritative reference and input builder live on the scoring server;
editing this copy changes nothing except your own understanding.
"""

import jax, jax.numpy as jnp
import numpy as np

NUM_CAMS = 100000
BATCH = 16384

def setup_inputs(seed: int = 0) -> dict:
    key = jax.random.key(seed)
    k1, k2 = jax.random.split(key)
    # Learned parameter: per-camera 3x3 intrinsic matrices (nn.Parameter in torch)
    param = jax.random.normal(k1, (NUM_CAMS, 3, 3), dtype=jnp.float32)
    # Camera indices to look up
    i = jax.random.randint(k2, (BATCH,), 0, NUM_CAMS, dtype=jnp.int64 if jax.config.jax_enable_x64 else jnp.int32)
    return {"i": i, "param": param}

def reference(i, param):
    # torch forward: return self.param[i]  (the print of the sum has no effect on output)
    out = jnp.take(param, i, axis=0)
    return out

if __name__ == "__main__":
    import jax
    _d = setup_inputs()
    print(jax.jit(kernel)(*tuple(_d.values())))

</pallas_src>

<mosaic_0001>
#map = affine_map<(d0, d1) -> (0)>
module attributes {stable_mosaic.version = 14 : i64} {
  func.func @k(%arg0: i32, %arg1: i32, %arg2: memref<16384xi32, #tpu.memory_space<hbm>>, %arg3: memref<900000xf32, #tpu.memory_space<hbm>>, %arg4: memref<147456xf32, #tpu.memory_space<hbm>>, %arg5: memref<512xi32, #tpu.memory_space<vmem>>, %arg6: memref<4608xf32, #tpu.memory_space<vmem>>, %arg7: memref<!tpu.dma_semaphore, #tpu.memory_space<semaphore_mem>>, %arg8: memref<!tpu.dma_semaphore, #tpu.memory_space<semaphore_mem>>, %arg9: memref<!tpu.dma_semaphore, #tpu.memory_space<semaphore_mem>>, %arg10: memref<!tpu.dma_semaphore, #tpu.memory_space<semaphore_mem>>, %arg11: memref<!tpu.dma_semaphore, #tpu.memory_space<semaphore_mem>>, %arg12: memref<!tpu.dma_semaphore, #tpu.memory_space<semaphore_mem>>, %arg13: memref<!tpu.dma_semaphore, #tpu.memory_space<semaphore_mem>>, %arg14: memref<!tpu.dma_semaphore, #tpu.memory_space<semaphore_mem>>, %arg15: memref<!tpu.dma_semaphore, #tpu.memory_space<semaphore_mem>>, %arg16: memref<!tpu.dma_semaphore, #tpu.memory_space<semaphore_mem>>) attributes {dimension_semantics = [#tpu.dimension_semantics<core_parallel>, #tpu.dimension_semantics<subcore_parallel>], iteration_bounds = array<i64: 2, 16>, scalar_prefetch = 0 : i64, scratch_operands = 12 : i64, tpu.core_type = #tpu.core_type<sc_vector_subcore>, window_params = [{transform_indices = #map}, {transform_indices = #map}, {transform_indices = #map}]} {
    %mul3A = arith.constant 2 : i32
    %mul3A_0 = arith.muli %arg1, %mul3A : i32
    %add3A = arith.addi %mul3A_0, %arg0 : i32
    %mul3A_1 = arith.constant 512 : i32
    %mul3A_2 = arith.muli %add3A, %mul3A_1 : i32
    "tpu.region"() ({
      %run_scoped3A = tpu.sem_alloc : memref<!tpu.dma_semaphore, #tpu.memory_space<semaphore_mem>>
      %dma_start3A_253 = tpu.memref_slice %arg2[%mul3A_2] : memref<16384xi32, #tpu.memory_space<hbm>> -> memref<512xi32, #tpu.memory_space<hbm>>
      %dma_start3A_254 = tpu.memref_slice %arg2[%mul3A_2] : memref<16384xi32, #tpu.memory_space<hbm>> -> memref<512xi32, #tpu.memory_space<hbm>>
      tpu.enqueue_dma source(%dma_start3A_254 : memref<512xi32, #tpu.memory_space<hbm>>) target(%arg5 : memref<512xi32, #tpu.memory_space<vmem>>) target_semaphore(%run_scoped3A : memref<!tpu.dma_semaphore, #tpu.memory_space<semaphore_mem>>)
      %dma_wait3A_255 = tpu.memref_slice %arg2[%mul3A_2] : memref<16384xi32, #tpu.memory_space<hbm>> -> memref<512xi32, #tpu.memory_space<hbm>>
      %dma_wait3A_256 = tpu.memref_slice %arg2[%mul3A_2] : memref<16384xi32, #tpu.memory_space<hbm>> -> memref<512xi32, #tpu.memory_space<hbm>>
      tpu.wait_dma2 semaphore(%run_scoped3A : memref<!tpu.dma_semaphore, #tpu.memory_space<semaphore_mem>>) src(%dma_wait3A_256 : memref<512xi32, #tpu.memory_space<hbm>>) dst(%arg5 : memref<512xi32, #tpu.memory_space<vmem>>)
      tpu.yield
    }) : () -> ()
    %dma_start3A = arith.constant 0 : i32
    %dma_start3A_3 = tpu.memref_slice %arg6[%dma_start3A] : memref<4608xf32, #tpu.memory_space<vmem>> -> memref<512xf32, #tpu.memory_space<vmem>>
    %dma_start3A_4 = arith.constant 0 : i32
    %dma_start3A_5 = tpu.memref_slice %arg3[%dma_start3A_4] : memref<900000xf32, #tpu.memory_space<hbm>> -> memref<100000xf32, #tpu.memory_space<hbm>>
    %dma_start3A_6 = arith.constant 0 : i32
    %dma_start3A_7 = tpu.memref_slice %dma_start3A_5[%dma_start3A_6] : memref<100000xf32, #tpu.memory_space<hbm>> -> memref<100000xf32, #tpu.memory_space<hbm>>
    tpu.enqueue_indirect_dma source(%dma_start3A_7 : memref<100000xf32, #tpu.memory_space<hbm>>) target(%dma_start3A_3 : memref<512xf32, #tpu.memory_space<vmem>>) offsets(%arg5 : memref<512xi32, #tpu.memory_space<vmem>>) semaphore(%arg7 : memref<!tpu.dma_semaphore, #tpu.memory_space<semaphore_mem>>)
    %dma_start3A_8 = arith.constant 512 : i32
    %dma_start3A_9 = tpu.memref_slice %arg6[%dma_start3A_8] : memref<4608xf32, #tpu.memory_space<vmem>> -> memref<512xf32, #tpu.memory_space<vmem>>
    %dma_start3A_10 = arith.constant 100000 : i32
    %dma_start3A_11 = tpu.memref_slice %arg3[%dma_start3A_10] : memref<900000xf32, #tpu.memory_space<hbm>> -> memref<100000xf32, #tpu.memory_space<hbm>>
    %dma_start3A_12 = arith.constant 0 : i32
    %dma_start3A_13 = tpu.memref_slice %dma_start3A_11[%dma_start3A_12] : memref<100000xf32, #tpu.memory_space<hbm>> -> memref<100000xf32, #tpu.memory_space<hbm>>
    tpu.enqueue_indirect_dma source(%dma_start3A_13 : memref<100000xf32, #tpu.memory_space<hbm>>) target(%dma_start3A_9 : memref<512xf32, #tpu.memory_space<vmem>>) offsets(%arg5 : memref<512xi32, #tpu.memory_space<vmem>>) semaphore(%arg8 : memref<!tpu.dma_semaphore, #tpu.memory_space<semaphore_mem>>)
    %dma_start3A_14 = arith.constant 1024 : i32
    %dma_start3A_15 = tpu.memref_slice %arg6[%dma_start3A_14] : memref<4608xf32, #tpu.memory_space<vmem>> -> memref<512xf32, #tpu.memory_space<vmem>>
    %dma_start3A_16 = arith.constant 200000 : i32
    %dma_start3A_17 = tpu.memref_slice %arg3[%dma_start3A_16] : memref<900000xf32, #tpu.memory_space<hbm>> -> memref<100000xf32, #tpu.memory_space<hbm>>
    %dma_start3A_18 = arith.constant 0 : i32
    %dma_start3A_19 = tpu.memref_slice %dma_start3A_17[%dma_start3A_18] : memref<100000xf32, #tpu.memory_space<hbm>> -> memref<100000xf32, #tpu.memory_space<hbm>>
    tpu.enqueue_indirect_dma source(%dma_start3A_19 : memref<100000xf32, #tpu.memory_space<hbm>>) target(%dma_start3A_15 : memref<512xf32, #tpu.memory_space<vmem>>) offsets(%arg5 : memref<512xi32, #tpu.memory_space<vmem>>) semaphore(%arg9 : memref<!tpu.dma_semaphore, #tpu.memory_space<semaphore_mem>>)
    %dma_start3A_20 = arith.constant 1536 : i32
    %dma_start3A_21 = tpu.memref_slice %arg6[%dma_start3A_20] : memref<4608xf32, #tpu.memory_space<vmem>> -> memref<512xf32, #tpu.memory_space<vmem>>
    %dma_start3A_22 = arith.constant 300000 : i32
    %dma_start3A_23 = tpu.memref_slice %arg3[%dma_start3A_22] : memref<900000xf32, #tpu.memory_space<hbm>> -> memref<100000xf32, #tpu.memory_space<hbm>>
    %dma_start3A_24 = arith.constant 0 : i32
    %dma_start3A_25 = tpu.memref_slice %dma_start3A_23[%dma_start3A_24] : memref<100000xf32, #tpu.memory_space<hbm>> -> memref<100000xf32, #tpu.memory_space<hbm>>
    tpu.enqueue_indirect_dma source(%dma_start3A_25 : memref<100000xf32, #tpu.memory_space<hbm>>) target(%dma_start3A_21 : memref<512xf32, #tpu.memory_space<vmem>>) offsets(%arg5 : memref<512xi32, #tpu.memory_space<vmem>>) semaphore(%arg10 : memref<!tpu.dma_semaphore, #tpu.memory_space<semaphore_mem>>)
    %dma_start3A_26 = arith.constant 2048 : i32
    %dma_start3A_27 = tpu.memref_slice %arg6[%dma_start3A_26] : memref<4608xf32, #tpu.memory_space<vmem>> -> memref<512xf32, #tpu.memory_space<vmem>>
    %dma_start3A_28 = arith.constant 400000 : i32
    %dma_start3A_29 = tpu.memref_slice %arg3[%dma_start3A_28] : memref<900000xf32, #tpu.memory_space<hbm>> -> memref<100000xf32, #tpu.memory_space<hbm>>
    %dma_start3A_30 = arith.constant 0 : i32
    %dma_start3A_31 = tpu.memref_slice %dma_start3A_29[%dma_start3A_30] : memref<100000xf32, #tpu.memory_space<hbm>> -> memref<100000xf32, #tpu.memory_space<hbm>>
    tpu.enqueue_indirect_dma source(%dma_start3A_31 : memref<100000xf32, #tpu.memory_space<hbm>>) target(%dma_start3A_27 : memref<512xf32, #tpu.memory_space<vmem>>) offsets(%arg5 : memref<512xi32, #tpu.memory_space<vmem>>) semaphore(%arg11 : memref<!tpu.dma_semaphore, #tpu.memory_space<semaphore_mem>>)
    %dma_start3A_32 = arith.constant 2560 : i32
    %dma_start3A_33 = tpu.memref_slice %arg6[%dma_start3A_32] : memref<4608xf32, #tpu.memory_space<vmem>> -> memref<512xf32, #tpu.memory_space<vmem>>
    %dma_start3A_34 = arith.constant 500000 : i32
    %dma_start3A_35 = tpu.memref_slice %arg3[%dma_start3A_34] : memref<900000xf32, #tpu.memory_space<hbm>> -> memref<100000xf32, #tpu.memory_space<hbm>>
    %dma_start3A_36 = arith.constant 0 : i32
    %dma_start3A_37 = tpu.memref_slice %dma_start3A_35[%dma_start3A_36] : memref<100000xf32, #tpu.memory_space<hbm>> -> memref<100000xf32, #tpu.memory_space<hbm>>
    tpu.enqueue_indirect_dma source(%dma_start3A_37 : memref<100000xf32, #tpu.memory_space<hbm>>) target(%dma_start3A_33 : memref<512xf32, #tpu.memory_space<vmem>>) offsets(%arg5 : memref<512xi32, #tpu.memory_space<vmem>>) semaphore(%arg12 : memref<!tpu.dma_semaphore, #tpu.memory_space<semaphore_mem>>)
    %dma_start3A_38 = arith.constant 3072 : i32
    %dma_start3A_39 = tpu.memref_slice %arg6[%dma_start3A_38] : memref<4608xf32, #tpu.memory_space<vmem>> -> memref<512xf32, #tpu.memory_space<vmem>>
    %dma_start3A_40 = arith.constant 600000 : i32
    %dma_start3A_41 = tpu.memref_slice %arg3[%dma_start3A_40] : memref<900000xf32, #tpu.memory_space<hbm>> -> memref<100000xf32, #tpu.memory_space<hbm>>
    %dma_start3A_42 = arith.constant 0 : i32
    %dma_start3A_43 = tpu.memref_slice %dma_start3A_41[%dma_start3A_42] : memref<100000xf32, #tpu.memory_space<hbm>> -> memref<100000xf32, #tpu.memory_space<hbm>>
    tpu.enqueue_indirect_dma source(%dma_start3A_43 : memref<100000xf32, #tpu.memory_space<hbm>>) target(%dma_start3A_39 : memref<512xf32, #tpu.memory_space<vmem>>) offsets(%arg5 : memref<512xi32, #tpu.memory_space<vmem>>) semaphore(%arg13 : memref<!tpu.dma_semaphore, #tpu.memory_space<semaphore_mem>>)
    %dma_start3A_44 = arith.constant 3584 : i32
    %dma_start3A_45 = tpu.memref_slice %arg6[%dma_start3A_44] : memref<4608xf32, #tpu.memory_space<vmem>> -> memref<512xf32, #tpu.memory_space<vmem>>
    %dma_start3A_46 = arith.constant 700000 : i32
    %dma_start3A_47 = tpu.memref_slice %arg3[%dma_start3A_46] : memref<900000xf32, #tpu.memory_space<hbm>> -> memref<100000xf32, #tpu.memory_space<hbm>>
    %dma_start3A_48 = arith.constant 0 : i32
    %dma_start3A_49 = tpu.memref_slice %dma_start3A_47[%dma_start3A_48] : memref<100000xf32, #tpu.memory_space<hbm>> -> memref<100000xf32, #tpu.memory_space<hbm>>
    tpu.enqueue_indirect_dma source(%dma_start3A_49 : memref<100000xf32, #tpu.memory_space<hbm>>) target(%dma_start3A_45 : memref<512xf32, #tpu.memory_space<vmem>>) offsets(%arg5 : memref<512xi32, #tpu.memory_space<vmem>>) semaphore(%arg14 : memref<!tpu.dma_semaphore, #tpu.memory_space<semaphore_mem>>)
    %dma_start3A_50 = arith.constant 4096 : i32
    %dma_start3A_51 = tpu.memref_slice %arg6[%dma_start3A_50] : memref<4608xf32, #tpu.memory_space<vmem>> -> memref<512xf32, #tpu.memory_space<vmem>>
    %dma_start3A_52 = arith.constant 800000 : i32
    %dma_start3A_53 = tpu.memref_slice %arg3[%dma_start3A_52] : memref<900000xf32, #tpu.memory_space<hbm>> -> memref<100000xf32, #tpu.memory_space<hbm>>
    %dma_start3A_54 = arith.constant 0 : i32
    %dma_start3A_55 = tpu.memref_slice %dma_start3A_53[%dma_start3A_54] : memref<100000xf32, #tpu.memory_space<hbm>> -> memref<100000xf32, #tpu.memory_space<hbm>>
    tpu.enqueue_indirect_dma source(%dma_start3A_55 : memref<100000xf32, #tpu.memory_space<hbm>>) target(%dma_start3A_51 : memref<512xf32, #tpu.memory_space<vmem>>) offsets(%arg5 : memref<512xi32, #tpu.memory_space<vmem>>) semaphore(%arg15 : memref<!tpu.dma_semaphore, #tpu.memory_space<semaphore_mem>>)
    %dma_wait3A = arith.constant 0 : i32
    %dma_wait3A_56 = tpu.memref_slice %arg6[%dma_wait3A] : memref<4608xf32, #tpu.memory_space<vmem>> -> memref<512xf32, #tpu.memory_space<vmem>>
    %dma_wait3A_57 = arith.constant 0 : i32
    %dma_wait3A_58 = tpu.memref_slice %arg3[%dma_wait3A_57] : memref<900000xf32, #tpu.memory_space<hbm>> -> memref<100000xf32, #tpu.memory_space<hbm>>
    %dma_wait3A_59 = arith.constant 0 : i32
    %dma_wait3A_60 = tpu.memref_slice %dma_wait3A_58[%dma_wait3A_59] : memref<100000xf32, #tpu.memory_space<hbm>> -> memref<100000xf32, #tpu.memory_space<hbm>>
    tpu.wait_indirect_dma semaphore(%arg7 : memref<!tpu.dma_semaphore, #tpu.memory_space<semaphore_mem>>) src(%dma_wait3A_60 : memref<100000xf32, #tpu.memory_space<hbm>>) dst(%dma_wait3A_56 : memref<512xf32, #tpu.memory_space<vmem>>)
    %mul3A_61 = arith.constant 512 : i32
    %mul3A_62 = arith.muli %add3A, %mul3A_61 : i32
    %add3A_63 = arith.constant 0 : i32
    %add3A_64 = arith.addi %add3A_63, %mul3A_62 : i32
    %dma_start3A_65 = arith.constant 0 : i32
    %dma_start3A_66 = tpu.memref_slice %arg6[%dma_start3A_65] : memref<4608xf32, #tpu.memory_space<vmem>> -> memref<512xf32, #tpu.memory_space<vmem>>
    %dma_start3A_67 = tpu.memref_slice %arg4[%add3A_64] : memref<147456xf32, #tpu.memory_space<hbm>> -> memref<512xf32, #tpu.memory_space<hbm>>
    %dma_start3A_68 = tpu.memref_slice %arg4[%add3A_64] : memref<147456xf32, #tpu.memory_space<hbm>> -> memref<512xf32, #tpu.memory_space<hbm>>
    %dma_start3A_69 = arith.constant 0 : i32
    %dma_start3A_70 = tpu.memref_slice %arg6[%dma_start3A_69] : memref<4608xf32, #tpu.memory_space<vmem>> -> memref<512xf32, #tpu.memory_space<vmem>>
    tpu.enqueue_dma source(%dma_start3A_70 : memref<512xf32, #tpu.memory_space<vmem>>) target(%dma_start3A_68 : memref<512xf32, #tpu.memory_space<hbm>>) target_semaphore(%arg16 : memref<!tpu.dma_semaphore, #tpu.memory_space<semaphore_mem>>)
    %dma_wait3A_71 = arith.constant 512 : i32
    %dma_wait3A_72 = tpu.memref_slice %arg6[%dma_wait3A_71] : memref<4608xf32, #tpu.memory_space<vmem>> -> memref<512xf32, #tpu.memory_space<vmem>>
    %dma_wait3A_73 = arith.constant 100000 : i32
    %dma_wait3A_74 = tpu.memref_slice %arg3[%dma_wait3A_73] : memref<900000xf32, #tpu.memory_space<hbm>> -> memref<100000xf32, #tpu.memory_space<hbm>>
    %dma_wait3A_75 = arith.constant 0 : i32
    %dma_wait3A_76 = tpu.memref_slice %dma_wait3A_74[%dma_wait3A_75] : memref<100000xf32, #tpu.memory_space<hbm>> -> memref<100000xf32, #tpu.memory_space<hbm>>
    tpu.wait_indirect_dma semaphore(%arg8 : memref<!tpu.dma_semaphore, #tpu.memory_space<semaphore_mem>>) src(%dma_wait3A_76 : memref<100000xf32, #tpu.memory_space<hbm>>) dst(%dma_wait3A_72 : memref<512xf32, #tpu.memory_space<vmem>>)
    %mul3A_77 = arith.constant 512 : i32
    %mul3A_78 = arith.muli %add3A, %mul3A_77 : i32
    %add3A_79 = arith.constant 16384 : i32
    %add3A_80 = arith.addi %add3A_79, %mul3A_78 : i32
    %dma_start3A_81 = arith.constant 512 : i32
    %dma_start3A_82 = tpu.memref_slice %arg6[%dma_start3A_81] : memref<4608xf32, #tpu.memory_space<vmem>> -> memref<512xf32, #tpu.memory_space<vmem>>
    %dma_start3A_83 = tpu.memref_slice %arg4[%add3A_80] : memref<147456xf32, #tpu.memory_space<hbm>> -> memref<512xf32, #tpu.memory_space<hbm>>
    %dma_start3A_84 = tpu.memref_slice %arg4[%add3A_80] : memref<147456xf32, #tpu.memory_space<hbm>> -> memref<512xf32, #tpu.memory_space<hbm>>
    %dma_start3A_85 = arith.constant 512 : i32
    %dma_start3A_86 = tpu.memref_slice %arg6[%dma_start3A_85] : memref<4608xf32, #tpu.memory_space<vmem>> -> memref<512xf32, #tpu.memory_space<vmem>>
    tpu.enqueue_dma source(%dma_start3A_86 : memref<512xf32, #tpu.memory_space<vmem>>) target(%dma_start3A_84 : memref<512xf32, #tpu.memory_space<hbm>>) target_semaphore(%arg16 : memref<!tpu.dma_semaphore, #tpu.memory_space<semaphore_mem>>)
    %dma_wait3A_87 = arith.constant 1024 : i32
    %dma_wait3A_88 = tpu.memref_slice %arg6[%dma_wait3A_87] : memref<4608xf32, #tpu.memory_space<vmem>> -> memref<512xf32, #tpu.memory_space<vmem>>
    %dma_wait3A_89 = arith.constant 200000 : i32
    %dma_wait3A_90 = tpu.memref_slice %arg3[%dma_wait3A_89] : memref<900000xf32, #tpu.memory_space<hbm>> -> memref<100000xf32, #tpu.memory_space<hbm>>
    %dma_wait3A_91 = arith.constant 0 : i32
    %dma_wait3A_92 = tpu.memref_slice %dma_wait3A_90[%dma_wait3A_91] : memref<100000xf32, #tpu.memory_space<hbm>> -> memref<100000xf32, #tpu.memory_space<hbm>>
    tpu.wait_indirect_dma semaphore(%arg9 : memref<!tpu.dma_semaphore, #tpu.memory_space<semaphore_mem>>) src(%dma_wait3A_92 : memref<100000xf32, #tpu.memory_space<hbm>>) dst(%dma_wait3A_88 : memref<512xf32, #tpu.memory_space<vmem>>)
    %mul3A_93 = arith.constant 512 : i32
    %mul3A_94 = arith.muli %add3A, %mul3A_93 : i32
    %add3A_95 = arith.constant 32768 : i32
    %add3A_96 = arith.addi %add3A_95, %mul3A_94 : i32
    %dma_start3A_97 = arith.constant 1024 : i32
    %dma_start3A_98 = tpu.memref_slice %arg6[%dma_start3A_97] : memref<4608xf32, #tpu.memory_space<vmem>> -> memref<512xf32, #tpu.memory_space<vmem>>
    %dma_start3A_99 = tpu.memref_slice %arg4[%add3A_96] : memref<147456xf32, #tpu.memory_space<hbm>> -> memref<512xf32, #tpu.memory_space<hbm>>
    %dma_start3A_100 = tpu.memref_slice %arg4[%add3A_96] : memref<147456xf32, #tpu.memory_space<hbm>> -> memref<512xf32, #tpu.memory_space<hbm>>
    %dma_start3A_101 = arith.constant 1024 : i32
    %dma_start3A_102 = tpu.memref_slice %arg6[%dma_start3A_101] : memref<4608xf32, #tpu.memory_space<vmem>> -> memref<512xf32, #tpu.memory_space<vmem>>
    tpu.enqueue_dma source(%dma_start3A_102 : memref<512xf32, #tpu.memory_space<vmem>>) target(%dma_start3A_100 : memref<512xf32, #tpu.memory_space<hbm>>) target_semaphore(%arg16 : memref<!tpu.dma_semaphore, #tpu.memory_space<semaphore_mem>>)
    %dma_wait3A_103 = arith.constant 1536 : i32
    %dma_wait3A_104 = tpu.memref_slice %arg6[%dma_wait3A_103] : memref<4608xf32, #tpu.memory_space<vmem>> -> memref<512xf32, #tpu.memory_space<vmem>>
    %dma_wait3A_105 = arith.constant 300000 : i32
    %dma_wait3A_106 = tpu.memref_slice %arg3[%dma_wait3A_105] : memref<900000xf32, #tpu.memory_space<hbm>> -> memref<100000xf32, #tpu.memory_space<hbm>>
    %dma_wait3A_107 = arith.constant 0 : i32
    %dma_wait3A_108 = tpu.memref_slice %dma_wait3A_106[%dma_wait3A_107] : memref<100000xf32, #tpu.memory_space<hbm>> -> memref<100000xf32, #tpu.memory_space<hbm>>
    tpu.wait_indirect_dma semaphore(%arg10 : memref<!tpu.dma_semaphore, #tpu.memory_space<semaphore_mem>>) src(%dma_wait3A_108 : memref<100000xf32, #tpu.memory_space<hbm>>) dst(%dma_wait3A_104 : memref<512xf32, #tpu.memory_space<vmem>>)
    %mul3A_109 = arith.constant 512 : i32
    %mul3A_110 = arith.muli %add3A, %mul3A_109 : i32
    %add3A_111 = arith.constant 49152 : i32
    %add3A_112 = arith.addi %add3A_111, %mul3A_110 : i32
    %dma_start3A_113 = arith.constant 1536 : i32
    %dma_start3A_114 = tpu.memref_slice %arg6[%dma_start3A_113] : memref<4608xf32, #tpu.memory_space<vmem>> -> memref<512xf32, #tpu.memory_space<vmem>>
    %dma_start3A_115 = tpu.memref_slice %arg4[%add3A_112] : memref<147456xf32, #tpu.memory_space<hbm>> -> memref<512xf32, #tpu.memory_space<hbm>>
    %dma_start3A_116 = tpu.memref_slice %arg4[%add3A_112] : memref<147456xf32, #tpu.memory_space<hbm>> -> memref<512xf32, #tpu.memory_space<hbm>>
    %dma_start3A_117 = arith.constant 1536 : i32
    %dma_start3A_118 = tpu.memref_slice %arg6[%dma_start3A_117] : memref<4608xf32, #tpu.memory_space<vmem>> -> memref<512xf32, #tpu.memory_space<vmem>>
    tpu.enqueue_dma source(%dma_start3A_118 : memref<512xf32, #tpu.memory_space<vmem>>) target(%dma_start3A_116 : memref<512xf32, #tpu.memory_space<hbm>>) target_semaphore(%arg16 : memref<!tpu.dma_semaphore, #tpu.memory_space<semaphore_mem>>)
    %dma_wait3A_119 = arith.constant 2048 : i32
    %dma_wait3A_120 = tpu.memref_slice %arg6[%dma_wait3A_119] : memref<4608xf32, #tpu.memory_space<vmem>> -> memref<512xf32, #tpu.memory_space<vmem>>
    %dma_wait3A_121 = arith.constant 400000 : i32
    %dma_wait3A_122 = tpu.memref_slice %arg3[%dma_wait3A_121] : memref<900000xf32, #tpu.memory_space<hbm>> -> memref<100000xf32, #tpu.memory_space<hbm>>
    %dma_wait3A_123 = arith.constant 0 : i32
    %dma_wait3A_124 = tpu.memref_slice %dma_wait3A_122[%dma_wait3A_123] : memref<100000xf32, #tpu.memory_space<hbm>> -> memref<100000xf32, #tpu.memory_space<hbm>>
    tpu.wait_indirect_dma semaphore(%arg11 : memref<!tpu.dma_semaphore, #tpu.memory_space<semaphore_mem>>) src(%dma_wait3A_124 : memref<100000xf32, #tpu.memory_space<hbm>>) dst(%dma_wait3A_120 : memref<512xf32, #tpu.memory_space<vmem>>)
    %mul3A_125 = arith.constant 512 : i32
    %mul3A_126 = arith.muli %add3A, %mul3A_125 : i32
    %add3A_127 = arith.constant 65536 : i32
    %add3A_128 = arith.addi %add3A_127, %mul3A_126 : i32
    %dma_start3A_129 = arith.constant 2048 : i32
    %dma_start3A_130 = tpu.memref_slice %arg6[%dma_start3A_129] : memref<4608xf32, #tpu.memory_space<vmem>> -> memref<512xf32, #tpu.memory_space<vmem>>
    %dma_start3A_131 = tpu.memref_slice %arg4[%add3A_128] : memref<147456xf32, #tpu.memory_space<hbm>> -> memref<512xf32, #tpu.memory_space<hbm>>
    %dma_start3A_132 = tpu.memref_slice %arg4[%add3A_128] : memref<147456xf32, #tpu.memory_space<hbm>> -> memref<512xf32, #tpu.memory_space<hbm>>
    %dma_start3A_133 = arith.constant 2048 : i32
    %dma_start3A_134 = tpu.memref_slice %arg6[%dma_start3A_133] : memref<4608xf32, #tpu.memory_space<vmem>> -> memref<512xf32, #tpu.memory_space<vmem>>
    tpu.enqueue_dma source(%dma_start3A_134 : memref<512xf32, #tpu.memory_space<vmem>>) target(%dma_start3A_132 : memref<512xf32, #tpu.memory_space<hbm>>) target_semaphore(%arg16 : memref<!tpu.dma_semaphore, #tpu.memory_space<semaphore_mem>>)
    %dma_wait3A_135 = arith.constant 2560 : i32
    %dma_wait3A_136 = tpu.memref_slice %arg6[%dma_wait3A_135] : memref<4608xf32, #tpu.memory_space<vmem>> -> memref<512xf32, #tpu.memory_space<vmem>>
    %dma_wait3A_137 = arith.constant 500000 : i32
    %dma_wait3A_138 = tpu.memref_slice %arg3[%dma_wait3A_137] : memref<900000xf32, #tpu.memory_space<hbm>> -> memref<100000xf32, #tpu.memory_space<hbm>>
    %dma_wait3A_139 = arith.constant 0 : i32
    %dma_wait3A_140 = tpu.memref_slice %dma_wait3A_138[%dma_wait3A_139] : memref<100000xf32, #tpu.memory_space<hbm>> -> memref<100000xf32, #tpu.memory_space<hbm>>
    tpu.wait_indirect_dma semaphore(%arg12 : memref<!tpu.dma_semaphore, #tpu.memory_space<semaphore_mem>>) src(%dma_wait3A_140 : memref<100000xf32, #tpu.memory_space<hbm>>) dst(%dma_wait3A_136 : memref<512xf32, #tpu.memory_space<vmem>>)
    %mul3A_141 = arith.constant 512 : i32
    %mul3A_142 = arith.muli %add3A, %mul3A_141 : i32
    %add3A_143 = arith.constant 81920 : i32
    %add3A_144 = arith.addi %add3A_143, %mul3A_142 : i32
    %dma_start3A_145 = arith.constant 2560 : i32
    %dma_start3A_146 = tpu.memref_slice %arg6[%dma_start3A_145] : memref<4608xf32, #tpu.memory_space<vmem>> -> memref<512xf32, #tpu.memory_space<vmem>>
    %dma_start3A_147 = tpu.memref_slice %arg4[%add3A_144] : memref<147456xf32, #tpu.memory_space<hbm>> -> memref<512xf32, #tpu.memory_space<hbm>>
    %dma_start3A_148 = tpu.memref_slice %arg4[%add3A_144] : memref<147456xf32, #tpu.memory_space<hbm>> -> memref<512xf32, #tpu.memory_space<hbm>>
    %dma_start3A_149 = arith.constant 2560 : i32
    %dma_start3A_150 = tpu.memref_slice %arg6[%dma_start3A_149] : memref<4608xf32, #tpu.memory_space<vmem>> -> memref<512xf32, #tpu.memory_space<vmem>>
    tpu.enqueue_dma source(%dma_start3A_150 : memref<512xf32, #tpu.memory_space<vmem>>) target(%dma_start3A_148 : memref<512xf32, #tpu.memory_space<hbm>>) target_semaphore(%arg16 : memref<!tpu.dma_semaphore, #tpu.memory_space<semaphore_mem>>)
    %dma_wait3A_151 = arith.constant 3072 : i32
    %dma_wait3A_152 = tpu.memref_slice %arg6[%dma_wait3A_151] : memref<4608xf32, #tpu.memory_space<vmem>> -> memref<512xf32, #tpu.memory_space<vmem>>
    %dma_wait3A_153 = arith.constant 600000 : i32
    %dma_wait3A_154 = tpu.memref_slice %arg3[%dma_wait3A_153] : memref<900000xf32, #tpu.memory_space<hbm>> -> memref<100000xf32, #tpu.memory_space<hbm>>
    %dma_wait3A_155 = arith.constant 0 : i32
    %dma_wait3A_156 = tpu.memref_slice %dma_wait3A_154[%dma_wait3A_155] : memref<100000xf32, #tpu.memory_space<hbm>> -> memref<100000xf32, #tpu.memory_space<hbm>>
    tpu.wait_indirect_dma semaphore(%arg13 : memref<!tpu.dma_semaphore, #tpu.memory_space<semaphore_mem>>) src(%dma_wait3A_156 : memref<100000xf32, #tpu.memory_space<hbm>>) dst(%dma_wait3A_152 : memref<512xf32, #tpu.memory_space<vmem>>)
    %mul3A_157 = arith.constant 512 : i32
    %mul3A_158 = arith.muli %add3A, %mul3A_157 : i32
    %add3A_159 = arith.constant 98304 : i32
    %add3A_160 = arith.addi %add3A_159, %mul3A_158 : i32
    %dma_start3A_161 = arith.constant 3072 : i32
    %dma_start3A_162 = tpu.memref_slice %arg6[%dma_start3A_161] : memref<4608xf32, #tpu.memory_space<vmem>> -> memref<512xf32, #tpu.memory_space<vmem>>
    %dma_start3A_163 = tpu.memref_slice %arg4[%add3A_160] : memref<147456xf32, #tpu.memory_space<hbm>> -> memref<512xf32, #tpu.memory_space<hbm>>
    %dma_start3A_164 = tpu.memref_slice %arg4[%add3A_160] : memref<147456xf32, #tpu.memory_space<hbm>> -> memref<512xf32, #tpu.memory_space<hbm>>
    %dma_start3A_165 = arith.constant 3072 : i32
    %dma_start3A_166 = tpu.memref_slice %arg6[%dma_start3A_165] : memref<4608xf32, #tpu.memory_space<vmem>> -> memref<512xf32, #tpu.memory_space<vmem>>
    tpu.enqueue_dma source(%dma_start3A_166 : memref<512xf32, #tpu.memory_space<vmem>>) target(%dma_start3A_164 : memref<512xf32, #tpu.memory_space<hbm>>) target_semaphore(%arg16 : memref<!tpu.dma_semaphore, #tpu.memory_space<semaphore_mem>>)
    %dma_wait3A_167 = arith.constant 3584 : i32
    %dma_wait3A_168 = tpu.memref_slice %arg6[%dma_wait3A_167] : memref<4608xf32, #tpu.memory_space<vmem>> -> memref<512xf32, #tpu.memory_space<vmem>>
    %dma_wait3A_169 = arith.constant 700000 : i32
    %dma_wait3A_170 = tpu.memref_slice %arg3[%dma_wait3A_169] : memref<900000xf32, #tpu.memory_space<hbm>> -> memref<100000xf32, #tpu.memory_space<hbm>>
    %dma_wait3A_171 = arith.constant 0 : i32
    %dma_wait3A_172 = tpu.memref_slice %dma_wait3A_170[%dma_wait3A_171] : memref<100000xf32, #tpu.memory_space<hbm>> -> memref<100000xf32, #tpu.memory_space<hbm>>
    tpu.wait_indirect_dma semaphore(%arg14 : memref<!tpu.dma_semaphore, #tpu.memory_space<semaphore_mem>>) src(%dma_wait3A_172 : memref<100000xf32, #tpu.memory_space<hbm>>) dst(%dma_wait3A_168 : memref<512xf32, #tpu.memory_space<vmem>>)
    %mul3A_173 = arith.constant 512 : i32
    %mul3A_174 = arith.muli %add3A, %mul3A_173 : i32
    %add3A_175 = arith.constant 114688 : i32
    %add3A_176 = arith.addi %add3A_175, %mul3A_174 : i32
    %dma_start3A_177 = arith.constant 3584 : i32
    %dma_start3A_178 = tpu.memref_slice %arg6[%dma_start3A_177] : memref<4608xf32, #tpu.memory_space<vmem>> -> memref<512xf32, #tpu.memory_space<vmem>>
    %dma_start3A_179 = tpu.memref_slice %arg4[%add3A_176] : memref<147456xf32, #tpu.memory_space<hbm>> -> memref<512xf32, #tpu.memory_space<hbm>>
    %dma_start3A_180 = tpu.memref_slice %arg4[%add3A_176] : memref<147456xf32, #tpu.memory_space<hbm>> -> memref<512xf32, #tpu.memory_space<hbm>>
    %dma_start3A_181 = arith.constant 3584 : i32
    %dma_start3A_182 = tpu.memref_slice %arg6[%dma_start3A_181] : memref<4608xf32, #tpu.memory_space<vmem>> -> memref<512xf32, #tpu.memory_space<vmem>>
    tpu.enqueue_dma source(%dma_start3A_182 : memref<512xf32, #tpu.memory_space<vmem>>) target(%dma_start3A_180 : memref<512xf32, #tpu.memory_space<hbm>>) target_semaphore(%arg16 : memref<!tpu.dma_semaphore, #tpu.memory_space<semaphore_mem>>)
    %dma_wait3A_183 = arith.constant 4096 : i32
    %dma_wait3A_184 = tpu.memref_slice %arg6[%dma_wait3A_183] : memref<4608xf32, #tpu.memory_space<vmem>> -> memref<512xf32, #tpu.memory_space<vmem>>
    %dma_wait3A_185 = arith.constant 800000 : i32
    %dma_wait3A_186 = tpu.memref_slice %arg3[%dma_wait3A_185] : memref<900000xf32, #tpu.memory_space<hbm>> -> memref<100000xf32, #tpu.memory_space<hbm>>
    %dma_wait3A_187 = arith.constant 0 : i32
    %dma_wait3A_188 = tpu.memref_slice %dma_wait3A_186[%dma_wait3A_187] : memref<100000xf32, #tpu.memory_space<hbm>> -> memref<100000xf32, #tpu.memory_space<hbm>>
    tpu.wait_indirect_dma semaphore(%arg15 : memref<!tpu.dma_semaphore, #tpu.memory_space<semaphore_mem>>) src(%dma_wait3A_188 : memref<100000xf32, #tpu.memory_space<hbm>>) dst(%dma_wait3A_184 : memref<512xf32, #tpu.memory_space<vmem>>)
    %mul3A_189 = arith.constant 512 : i32
    %mul3A_190 = arith.muli %add3A, %mul3A_189 : i32
    %add3A_191 = arith.constant 131072 : i32
    %add3A_192 = arith.addi %add3A_191, %mul3A_190 : i32
    %dma_start3A_193 = arith.constant 4096 : i32
    %dma_start3A_194 = tpu.memref_slice %arg6[%dma_start3A_193] : memref<4608xf32, #tpu.memory_space<vmem>> -> memref<512xf32, #tpu.memory_space<vmem>>
    %dma_start3A_195 = tpu.memref_slice %arg4[%add3A_192] : memref<147456xf32, #tpu.memory_space<hbm>> -> memref<512xf32, #tpu.memory_space<hbm>>
    %dma_start3A_196 = tpu.memref_slice %arg4[%add3A_192] : memref<147456xf32, #tpu.memory_space<hbm>> -> memref<512xf32, #tpu.memory_space<hbm>>
    %dma_start3A_197 = arith.constant 4096 : i32
    %dma_start3A_198 = tpu.memref_slice %arg6[%dma_start3A_197] : memref<4608xf32, #tpu.memory_space<vmem>> -> memref<512xf32, #tpu.memory_space<vmem>>
    tpu.enqueue_dma source(%dma_start3A_198 : memref<512xf32, #tpu.memory_space<vmem>>) target(%dma_start3A_196 : memref<512xf32, #tpu.memory_space<hbm>>) target_semaphore(%arg16 : memref<!tpu.dma_semaphore, #tpu.memory_space<semaphore_mem>>)
    %dma_wait3A_199 = arith.constant 0 : i32
    %dma_wait3A_200 = tpu.memref_slice %arg6[%dma_wait3A_199] : memref<4608xf32, #tpu.memory_space<vmem>> -> memref<512xf32, #tpu.memory_space<vmem>>
    %dma_wait3A_201 = tpu.memref_slice %arg4[%add3A_64] : memref<147456xf32, #tpu.memory_space<hbm>> -> memref<512xf32, #tpu.memory_space<hbm>>
    %dma_wait3A_202 = tpu.memref_slice %arg4[%add3A_64] : memref<147456xf32, #tpu.memory_space<hbm>> -> memref<512xf32, #tpu.memory_space<hbm>>
    %dma_wait3A_203 = arith.constant 0 : i32
    %dma_wait3A_204 = tpu.memref_slice %arg6[%dma_wait3A_203] : memref<4608xf32, #tpu.memory_space<vmem>> -> memref<512xf32, #tpu.memory_space<vmem>>
    tpu.wait_dma2 semaphore(%arg16 : memref<!tpu.dma_semaphore, #tpu.memory_space<semaphore_mem>>) src(%dma_wait3A_204 : memref<512xf32, #tpu.memory_space<vmem>>) dst(%dma_wait3A_202 : memref<512xf32, #tpu.memory_space<hbm>>)
    %dma_wait3A_205 = arith.constant 512 : i32
    %dma_wait3A_206 = tpu.memref_slice %arg6[%dma_wait3A_205] : memref<4608xf32, #tpu.memory_space<vmem>> -> memref<512xf32, #tpu.memory_space<vmem>>
    %dma_wait3A_207 = tpu.memref_slice %arg4[%add3A_80] : memref<147456xf32, #tpu.memory_space<hbm>> -> memref<512xf32, #tpu.memory_space<hbm>>
    %dma_wait3A_208 = tpu.memref_slice %arg4[%add3A_80] : memref<147456xf32, #tpu.memory_space<hbm>> -> memref<512xf32, #tpu.memory_space<hbm>>
    %dma_wait3A_209 = arith.constant 512 : i32
    %dma_wait3A_210 = tpu.memref_slice %arg6[%dma_wait3A_209] : memref<4608xf32, #tpu.memory_space<vmem>> -> memref<512xf32, #tpu.memory_space<vmem>>
    tpu.wait_dma2 semaphore(%arg16 : memref<!tpu.dma_semaphore, #tpu.memory_space<semaphore_mem>>) src(%dma_wait3A_210 : memref<512xf32, #tpu.memory_space<vmem>>) dst(%dma_wait3A_208 : memref<512xf32, #tpu.memory_space<hbm>>)
    %dma_wait3A_211 = arith.constant 1024 : i32
    %dma_wait3A_212 = tpu.memref_slice %arg6[%dma_wait3A_211] : memref<4608xf32, #tpu.memory_space<vmem>> -> memref<512xf32, #tpu.memory_space<vmem>>
    %dma_wait3A_213 = tpu.memref_slice %arg4[%add3A_96] : memref<147456xf32, #tpu.memory_space<hbm>> -> memref<512xf32, #tpu.memory_space<hbm>>
    %dma_wait3A_214 = tpu.memref_slice %arg4[%add3A_96] : memref<147456xf32, #tpu.memory_space<hbm>> -> memref<512xf32, #tpu.memory_space<hbm>>
    %dma_wait3A_215 = arith.constant 1024 : i32
    %dma_wait3A_216 = tpu.memref_slice %arg6[%dma_wait3A_215] : memref<4608xf32, #tpu.memory_space<vmem>> -> memref<512xf32, #tpu.memory_space<vmem>>
    tpu.wait_dma2 semaphore(%arg16 : memref<!tpu.dma_semaphore, #tpu.memory_space<semaphore_mem>>) src(%dma_wait3A_216 : memref<512xf32, #tpu.memory_space<vmem>>) dst(%dma_wait3A_214 : memref<512xf32, #tpu.memory_space<hbm>>)
    %dma_wait3A_217 = arith.constant 1536 : i32
    %dma_wait3A_218 = tpu.memref_slice %arg6[%dma_wait3A_217] : memref<4608xf32, #tpu.memory_space<vmem>> -> memref<512xf32, #tpu.memory_space<vmem>>
    %dma_wait3A_219 = tpu.memref_slice %arg4[%add3A_112] : memref<147456xf32, #tpu.memory_space<hbm>> -> memref<512xf32, #tpu.memory_space<hbm>>
    %dma_wait3A_220 = tpu.memref_slice %arg4[%add3A_112] : memref<147456xf32, #tpu.memory_space<hbm>> -> memref<512xf32, #tpu.memory_space<hbm>>
    %dma_wait3A_221 = arith.constant 1536 : i32
    %dma_wait3A_222 = tpu.memref_slice %arg6[%dma_wait3A_221] : memref<4608xf32, #tpu.memory_space<vmem>> -> memref<512xf32, #tpu.memory_space<vmem>>
    tpu.wait_dma2 semaphore(%arg16 : memref<!tpu.dma_semaphore, #tpu.memory_space<semaphore_mem>>) src(%dma_wait3A_222 : memref<512xf32, #tpu.memory_space<vmem>>) dst(%dma_wait3A_220 : memref<512xf32, #tpu.memory_space<hbm>>)
    %dma_wait3A_223 = arith.constant 2048 : i32
    %dma_wait3A_224 = tpu.memref_slice %arg6[%dma_wait3A_223] : memref<4608xf32, #tpu.memory_space<vmem>> -> memref<512xf32, #tpu.memory_space<vmem>>
    %dma_wait3A_225 = tpu.memref_slice %arg4[%add3A_128] : memref<147456xf32, #tpu.memory_space<hbm>> -> memref<512xf32, #tpu.memory_space<hbm>>
    %dma_wait3A_226 = tpu.memref_slice %arg4[%add3A_128] : memref<147456xf32, #tpu.memory_space<hbm>> -> memref<512xf32, #tpu.memory_space<hbm>>
    %dma_wait3A_227 = arith.constant 2048 : i32
    %dma_wait3A_228 = tpu.memref_slice %arg6[%dma_wait3A_227] : memref<4608xf32, #tpu.memory_space<vmem>> -> memref<512xf32, #tpu.memory_space<vmem>>
    tpu.wait_dma2 semaphore(%arg16 : memref<!tpu.dma_semaphore, #tpu.memory_space<semaphore_mem>>) src(%dma_wait3A_228 : memref<512xf32, #tpu.memory_space<vmem>>) dst(%dma_wait3A_226 : memref<512xf32, #tpu.memory_space<hbm>>)
    %dma_wait3A_229 = arith.constant 2560 : i32
    %dma_wait3A_230 = tpu.memref_slice %arg6[%dma_wait3A_229] : memref<4608xf32, #tpu.memory_space<vmem>> -> memref<512xf32, #tpu.memory_space<vmem>>
    %dma_wait3A_231 = tpu.memref_slice %arg4[%add3A_144] : memref<147456xf32, #tpu.memory_space<hbm>> -> memref<512xf32, #tpu.memory_space<hbm>>
    %dma_wait3A_232 = tpu.memref_slice %arg4[%add3A_144] : memref<147456xf32, #tpu.memory_space<hbm>> -> memref<512xf32, #tpu.memory_space<hbm>>
    %dma_wait3A_233 = arith.constant 2560 : i32
    %dma_wait3A_234 = tpu.memref_slice %arg6[%dma_wait3A_233] : memref<4608xf32, #tpu.memory_space<vmem>> -> memref<512xf32, #tpu.memory_space<vmem>>
    tpu.wait_dma2 semaphore(%arg16 : memref<!tpu.dma_semaphore, #tpu.memory_space<semaphore_mem>>) src(%dma_wait3A_234 : memref<512xf32, #tpu.memory_space<vmem>>) dst(%dma_wait3A_232 : memref<512xf32, #tpu.memory_space<hbm>>)
    %dma_wait3A_235 = arith.constant 3072 : i32
    %dma_wait3A_236 = tpu.memref_slice %arg6[%dma_wait3A_235] : memref<4608xf32, #tpu.memory_space<vmem>> -> memref<512xf32, #tpu.memory_space<vmem>>
    %dma_wait3A_237 = tpu.memref_slice %arg4[%add3A_160] : memref<147456xf32, #tpu.memory_space<hbm>> -> memref<512xf32, #tpu.memory_space<hbm>>
    %dma_wait3A_238 = tpu.memref_slice %arg4[%add3A_160] : memref<147456xf32, #tpu.memory_space<hbm>> -> memref<512xf32, #tpu.memory_space<hbm>>
    %dma_wait3A_239 = arith.constant 3072 : i32
    %dma_wait3A_240 = tpu.memref_slice %arg6[%dma_wait3A_239] : memref<4608xf32, #tpu.memory_space<vmem>> -> memref<512xf32, #tpu.memory_space<vmem>>
    tpu.wait_dma2 semaphore(%arg16 : memref<!tpu.dma_semaphore, #tpu.memory_space<semaphore_mem>>) src(%dma_wait3A_240 : memref<512xf32, #tpu.memory_space<vmem>>) dst(%dma_wait3A_238 : memref<512xf32, #tpu.memory_space<hbm>>)
    %dma_wait3A_241 = arith.constant 3584 : i32
    %dma_wait3A_242 = tpu.memref_slice %arg6[%dma_wait3A_241] : memref<4608xf32, #tpu.memory_space<vmem>> -> memref<512xf32, #tpu.memory_space<vmem>>
    %dma_wait3A_243 = tpu.memref_slice %arg4[%add3A_176] : memref<147456xf32, #tpu.memory_space<hbm>> -> memref<512xf32, #tpu.memory_space<hbm>>
    %dma_wait3A_244 = tpu.memref_slice %arg4[%add3A_176] : memref<147456xf32, #tpu.memory_space<hbm>> -> memref<512xf32, #tpu.memory_space<hbm>>
    %dma_wait3A_245 = arith.constant 3584 : i32
    %dma_wait3A_246 = tpu.memref_slice %arg6[%dma_wait3A_245] : memref<4608xf32, #tpu.memory_space<vmem>> -> memref<512xf32, #tpu.memory_space<vmem>>
    tpu.wait_dma2 semaphore(%arg16 : memref<!tpu.dma_semaphore, #tpu.memory_space<semaphore_mem>>) src(%dma_wait3A_246 : memref<512xf32, #tpu.memory_space<vmem>>) dst(%dma_wait3A_244 : memref<512xf32, #tpu.memory_space<hbm>>)
    %dma_wait3A_247 = arith.constant 4096 : i32
    %dma_wait3A_248 = tpu.memref_slice %arg6[%dma_wait3A_247] : memref<4608xf32, #tpu.memory_space<vmem>> -> memref<512xf32, #tpu.memory_space<vmem>>
    %dma_wait3A_249 = tpu.memref_slice %arg4[%add3A_192] : memref<147456xf32, #tpu.memory_space<hbm>> -> memref<512xf32, #tpu.memory_space<hbm>>
    %dma_wait3A_250 = tpu.memref_slice %arg4[%add3A_192] : memref<147456xf32, #tpu.memory_space<hbm>> -> memref<512xf32, #tpu.memory_space<hbm>>
    %dma_wait3A_251 = arith.constant 4096 : i32
    %dma_wait3A_252 = tpu.memref_slice %arg6[%dma_wait3A_251] : memref<4608xf32, #tpu.memory_space<vmem>> -> memref<512xf32, #tpu.memory_space<vmem>>
    tpu.wait_dma2 semaphore(%arg16 : memref<!tpu.dma_semaphore, #tpu.memory_space<semaphore_mem>>) src(%dma_wait3A_252 : memref<512xf32, #tpu.memory_space<vmem>>) dst(%dma_wait3A_250 : memref<512xf32, #tpu.memory_space<hbm>>)
    return
  }
}

</mosaic_0001>

<sc_bundles>
// kernel: kernel.3.cloned.1.call-start
scs
__scs_entry_jumppad:
0x0: {  	(pc) =	sbr.rel $0x88, $3  }
0x1: {  	(tag) =	ssettag $0x0;
	lr =	simm.s32 $0x1  }
0x2: {  	[smem:$0x3F9F] =	sst lr;
	_ =	strace $0xD0000000  }
0x3: {  	_ = 	snop  }
0x4: {  	_ = 	snop  }
0x5: {  	_ = 	snop  }
0x6: {  	_ = 	snop  }
0x7: {  	_ = 	snop  }
__scs_overlays_trampoline_lowered:
0x8: {  	[smem:$0x3FAE] =	sst s0  }
0x9: {  	[smem:$0x3FAF] =	sst s1  }
0xa: {  	[smem:$0x3FB0] =	sst s2  }
0xb: {  	[smem:$0x3FB1] =	sst s3  }
0xc: {  	[smem:$0x3FB2] =	sst s4  }
0xd: {  	[smem:$0x3FB3] =	sst s5  }
0xe: {  	[smem:$0x3FB4] =	sst s6  }
0xf: {  	[smem:$0x3FB5] =	sst s7  }
0x10: {  	[smem:$0x3FB6] =	sst s8  }
0x11: {  	[smem:$0x3FB7] =	sst s9;
	s0 =	simm.s32 @!p0 $0x0  }
0x12: {  	s1 =	sld [smem:$0x3F9D];
	s0 =	simm.s32 @p0 $0x1  }
0x13: {  	[smem:$0x3FB8] =	sst s0;
	s0 =	simm.s32 @!p1 $0x0  }
0x14: {  	s2 =	sld [smem:$0x3F9C];
	s0 =	simm.s32 @p1 $0x1  }
0x15: {  	[smem:$0x3FB9] =	sst s0;
	s0 =	simm.s32 @!p2 $0x0  }
0x16: {  	s3 =	sld [smem:$0x3FDB];
	s0 =	simm.s32 @p2 $0x1  }
0x17: {  	s4 =	simm.s32 $0x1BF5;
	[smem:$0x3FBB] =	sst s0  }
0x18: {  	s0 =	sld [smem:$0x3F9E];
	_ =	swait.ge [sflag:s4], $0x0  }
0x19: {  	s7 =	sld [smem:$0x3F9F]  }
0x1a: {  	s8 =	sadd.s32 $0xFFFFE003, lr  }
0x1b: {  	s9 =	sadd.s32 $0xFFFFFEF7, lr;
	s5 =	simm.s32 $0xFFFFFFFF;
	p2 =	slt.u32 s8, $0xFFFFF086  }
0x1c: {  	p1 =	slt.u32 s9, $0xF7A;
	s5 =	simm.s32 @!p2 $0x0  }
0x1d: {  	s5 =	simm.s32 @p1 $0x1;
	p0 =	seq.s32 s7, s2  }
0x1e: {  	s7 =	smul.u32 @!p0 $0xF7A, s2;
	p2 =	seq.s32 @!p0 s5, $0x0  }
0x1f: {  	s9 =	smul.u32 $0xF7A, s1;
	s8 =	simm.s32 @!p0 $0x1BF5;
	p2 =	por !p2, p0  }
0x20: {  	[sflag:s8] =	ssyncset.s32 @!p0 $0xFFFFF086;
	s6 =	sadd.s32 @!p0 s3, s7;
	s7 =	simm.s32 @!p0 $0x108  }
0x21: {  	s3 =	sadd.s32 s3, s9;
	s6 =	sadd.s32 @!p0 $0x88, s6;
	s7 =	simm.s32 @p2 $0x1082  }
0x22: {  	[simem:s7], [sflag:s8] =	dma.local @!p0 [hbm:s6], $0xF7A  }
0x23: {  	s9 =	sor.u32 $0xD0000000, s2;
	s6 =	simm.s32 $0x108;
	_ =	swait.ge @!p0 [sflag:s8], $0x0  }
0x24: {  	s3 =	sadd.s32 $0x88, s3;
	s6 =	simm.s32 @!p1 $0x1082;
	[sflag:s4] =	ssyncset.s32 $0xFFFFF086  }
0x25: {  	[simem:s6], [sflag:s4] =	dma.local [hbm:s3], $0xF7A  }
0x26: {  	[smem:$0x3F9F] =	sst s1;
	(tag) =	ssettag s2;
	_ =	strace s9  }
0x27: {  	s1 =	sld [smem:$0x3FAF]  }
0x28: {  	s2 =	sld [smem:$0x3FB0]  }
0x29: {  	s4 =	sld [smem:$0x3FB2]  }
0x2a: {  	p0 =	seq.s32 s5, $0x0;
	s5 =	sld [smem:$0x3FB3]  }
0x2b: {  	s6 =	sld [smem:$0x3FB4]  }
0x2c: {  	s7 =	sld [smem:$0x3FB5]  }
0x2d: {  	s3 =	simm.s32 $0x108;
	s8 =	sld [smem:$0x3FB6]  }
0x2e: {  	s3 =	simm.s32 @!p0 $0x1082;
	s9 =	sld [smem:$0x3FB7]  }
0x2f: {  	lr =	sadd.s32 s0, s3;
	s0 =	sld [smem:$0x3FAE]  }
0x30: {  	s3 =	sld [smem:$0x3FB1]  }
0x31: {  	[smem:$0x3FBA] =	sst s10  }
0x32: {  	s10 =	sld [smem:$0x3FB8];
	_ =	sdelay $0x3  }
0x33: {  	p0 =	seq.s32 s10, $0x1;
	s10 =	sld [smem:$0x3FBA];
	_ =	sdelay $0x3  }
0x34: {  	[smem:$0x3FBA] =	sst s10  }
0x35: {  	s10 =	sld [smem:$0x3FB9];
	_ =	sdelay $0x3  }
0x36: {  	p1 =	seq.s32 s10, $0x1;
	s10 =	sld [smem:$0x3FBA];
	_ =	sdelay $0x3  }
0x37: {  	[smem:$0x3FBA] =	sst s10  }
0x38: {  	s10 =	sld [smem:$0x3FBB]  }
0x39: {  	_ = 	snop;
	(pc) =	sbr.ind lr, $3  }
0x3a: {  	_ = 	snop  }
0x3b: {  	_ = 	snop  }
0x3c: {  	p2 =	seq.s32 s10, $0x1;
	s10 =	sld [smem:$0x3FBA]  }
0x3d: {  	_ =	shalt  }
0x3e: {  	_ =	shalt  }
0x3f: {  	_ =	shalt  }
0x40: {  	_ =	shalt  }
0x41: {  	_ =	shalt  }
0x42: {  	_ =	shalt  }
0x43: {  	_ =	shalt  }
0x44: {  	_ =	shalt  }
0x45: {  	_ =	shalt  }
0x46: {  	_ =	shalt  }
0x47: {  	_ =	shalt  }
0x48: {  	_ =	shalt  }
0x49: {  	_ =	shalt  }
0x4a: {  	_ =	shalt  }
0x4b: {  	_ =	shalt  }
0x4c: {  	_ =	shalt  }
0x4d: {  	_ =	shalt  }
0x4e: {  	_ =	shalt  }
0x4f: {  	_ =	shalt  }
0x50: {  	_ =	shalt  }
0x51: {  	_ =	shalt  }
0x52: {  	_ =	shalt  }
0x53: {  	_ =	shalt  }
0x54: {  	_ =	shalt  }
0x55: {  	_ =	shalt  }
0x56: {  	_ =	shalt  }
0x57: {  	_ =	shalt  }
0x58: {  	_ =	shalt  }
0x59: {  	_ =	shalt  }
0x5a: {  	_ =	shalt  }
0x5b: {  	_ =	shalt  }
0x5c: {  	_ =	shalt  }
0x5d: {  	_ =	shalt  }
0x5e: {  	_ =	shalt  }
0x5f: {  	_ =	shalt  }
0x60: {  	_ =	shalt  }
0x61: {  	_ =	shalt  }
0x62: {  	_ =	shalt  }
0x63: {  	_ =	shalt  }
0x64: {  	_ =	shalt  }
0x65: {  	_ =	shalt  }
0x66: {  	_ =	shalt  }
0x67: {  	_ =	shalt  }
0x68: {  	_ =	shalt  }
0x69: {  	_ =	shalt  }
0x6a: {  	_ =	shalt  }
0x6b: {  	_ =	shalt  }
0x6c: {  	_ =	shalt  }
0x6d: {  	_ =	shalt  }
0x6e: {  	_ =	shalt  }
0x6f: {  	_ =	shalt  }
0x70: {  	_ =	shalt  }
0x71: {  	_ =	shalt  }
0x72: {  	_ =	shalt  }
0x73: {  	_ =	shalt  }
0x74: {  	_ =	shalt  }
0x75: {  	_ =	shalt  }
0x76: {  	_ =	shalt  }
0x77: {  	_ =	shalt  }
0x78: {  	_ =	shalt  }
0x79: {  	_ =	shalt  }
0x7a: {  	_ =	shalt  }
0x7b: {  	_ =	shalt  }
0x7c: {  	_ =	shalt  }
0x7d: {  	_ =	shalt  }
0x7e: {  	_ =	shalt  }
0x7f: {  	_ =	shalt  }
0x80: {  	_ =	shalt  }
0x81: {  	_ =	shalt  }
0x82: {  	_ =	shalt  }
0x83: {  	_ =	shalt  }
0x84: {  	_ =	shalt  }
0x85: {  	_ =	shalt  }
0x86: {  	_ =	shalt  }
0x87: {  	_ =	shalt  }
.Lfunc_end0:
.L_simem_size_0:
called_computation_lowered:
.L_overlay_start_0:
0x88: {  	s2 =	sld [smem:$0x3FD9]  }
0x89: {  	s3 =	sld [smem:$0x3FFE];
	_ =	sdelay $0x1  }
0x8a: {  	s1 =	srdreg.scid  }
0x8b: {  	s0 =	sand.u32 $0x1, s1  }
0x8c: {  	s17 =	sshll.u32 s0, $0xA;
	s2 =	sadd.s32 s3, s2  }
0x8d: {  	s2 =	sadd.s32 s2, s17  }
0x8e: {  	[smem:$0x3FC6] =	sst s2  }
0x8f: {  	_ = 	snop  }
0x90: {  	s2 =	sld [smem:$0x3FC9];
	(tm) =	ssettm $0x1  }
0x91: {  	s18 =	sld [smem:$0x3FFB];
	_ =	sdelay $0x3  }
0x92: {  	_ =	strace s18  }
0x93: {  	s3 =	sld [smem:$0x3FFC];
	_ =	sdelay $0x3  }
0x94: {  	_ =	strace s3  }
0x95: {  	s3 =	sld [smem:$0x3FFD];
	_ =	sdelay $0x3  }
0x96: {  	_ =	strace s3  }
0x97: {  	_ =	strace $0x8FFFFFFF  }
0x98: {  	s19 =	sld [smem:$0x3FDB];
	_ =	sdelay $0x1  }
0x99: {  	s4 =	simm.s32 $_scs_section_size  }
0x9a: {  	s5 =	simm.s32 $_size__tile_overlayer_lowered;
	s6 =	simm.s32 $_tile_overlayer_lowered  }
0x9b: {  	s22 =	simm.s32 $0x1BFF;
	s21 =	sshll.u32 s6, $0x1;
	s3 =	sadd.s32 s4, s19  }
0x9c: {  	s7 =	simm.s32 $0x0;
	s20 =	sshll.u32 s5, $0x1;
	s5 =	sadd.s32 s21, s3  }
0x9d: {  	[timem:s7], [sflag:s22] =	dma.local [hbm:s5], s20  }
0x9e: {  	_ =	swait.ge [sflag:s22], s20  }
0x9f: {  	s4 =	ssub.s32 $0x0, s20;
	[sflag:s22] =	ssyncset.done $0x0  }
0xa0: {  	[sflag:s22] =	ssyncadd.s32 s4;
	_ =	sdelay $0x1  }
0xa1: {  	s23 =	simm.s32 $0x1B8B  }
0xa2: {  	_ =	swait.ge [sflag:s23], $0x1  }
0xa3: {  	[sflag:s23] =	ssyncset.done $0x0  }
0xa4: {  	s25 =	simm.s32 $0x1B8E;
	s24 =	sld [smem:$0x3FFE];
	[sflag:s23] =	ssyncadd.s32 $0xFFFFFFFF  }
0xa5: {  	s26 =	simm.s32 $execute0_lowered;
	[smem:$0x3FD2] =	sst s25  }
0xa6: {  	s5 =	sshll.u32 s26, $0x1;
	_ =	strace $0x80000046;
	[dreg:$0x1] =	wrdreg $0xFFFFFFFF  }
0xa7: {  	s28 =	simm.s32 $_size_execute0_lowered;
	s3 =	sadd.s32 s3, s5;
	[dreg:$0x0] =	wrdreg $0x0  }
0xa8: {  	s5 =	sshll.u32 s28, $0x1;
	[dreg:$0x2] =	wrdreg s3  }
0xa9: {  	[dreg:$0x3] =	wrdreg s5  }
0xaa: {  	[dreg:$0x4] =	wrdreg $0xC0  }
0xab: {  	_ =	task [dreg:s7], $0x5FFFF  }
0xac: {  	[dreg:$0x1] =	wrdreg $0xFFFFFFFF  }
0xad: {  	[dreg:$0x0] =	wrdreg $0x60  }
0xae: {  	[dreg:$0x2] =	wrdreg s2  }
0xaf: {  	[dreg:$0x3] =	wrdreg s24  }
0xb0: {  	[dreg:$0x4] =	wrdreg $0x9  }
0xb1: {  	_ =	task.clear_ibuf [dreg:s7], $0x5FFFF;
	_ =	strace $0x90000046  }
0xb2: {  	s29 =	simm.s32 $0x9;
	_ =	strace $0x80000048  }
0xb3: {  	_ =	swait.ge [sflag:s29], $0x1  }
0xb4: {  	[sflag:s29] =	ssyncadd.s32 $0xFFFFFFFF  }
0xb5: {  	_ =	strace $0x90000048  }
0xb6: {  	_ =	sfence  }
0xb7: {  	s30 =	sld [smem:$0x0];
	_ =	sdelay $0x2  }
0xb8: {  	s31 =	sshll.u32 s1, $0xD;
	s1 =	sshrl.u32 s1, $0x2  }
0xb9: {  	s3 =	sand.u32 $0x4000, s31;
	s1 =	sadd.s32 s1, s30  }
0xba: {  	s0 =	sor.u32 s3, s0;
	s1 =	sshll.u32 s1, $0x11  }
0xbb: {  	s0 =	sor.u32 s1, s0  }
0xbc: {  	s0 =	sadd.s32 $0x8F2B, s0  }
0xbd: {  	[sflag:s0] =	ssyncadd.remote.s32 $0x1  }
0xbe: {  	_ =	sfence.sel $0xFFFF  }
0xbf: {  	[dreg:$0x0] =	wrdreg $0xFFFFFFFF;
	(pc) =	sbr.abs _section_cstart, $3  }
0xc0: {  	[dreg:$0x1] =	wrdreg $0xFFFFFFFF  }
0xc1: {  	_ =	task.clear_ibuf [dreg:s7], $0x2FFFF;
	_ =	strace $0x9FFFFFFF  }
0xc2: {  	(tm) =	ssettm $0x7FFFFFFF  }
0xc3: {  	_ =	shalt  }
tec
execute0_lowered:
.L_overlay_start_1:
0x0: {  	(tag) =	ssettag $0x1  }
0x1: {  	s0 =	rddreg [dreg:$0x0]  }
0x2: {  	s1 =	rddreg [dreg:$0x1]  }
0x3: {  	s3 =	srdreg.scid;
	s2 =	simm.s32 $0x0;
	s4 =	stileid.u32  }
0x4: {  	s31 =	simm.s32 $0xB;
	s14 =	simm.s32 $0xC00;
	s12 =	simm.s32 $0xE00  }
0x5: {  	s10 =	simm.s32 $0x1000;
	[smem:$0x7FF] =	sst s2;
	s6 =	sadd.s32 $0x400, s1  }
0x6: {  	s16 =	sadd.s32 $0x34D4, s1;
	_ =	strace $0x80000047;
	[dreg:$0x3] =	wrdreg s6  }
0x7: {  	s8 =	simm.s32 $0x1200;
	s17 =	sadd.s32 $0x65A8, s1;
	[dreg:$0x5] =	wrdreg s16  }
0x8: {  	s30 =	simm.s32 $0x1;
	s18 =	sadd.s32 $0x967C, s1;
	[dreg:$0x6] =	wrdreg s17  }
0x9: {  	s29 =	simm.s32 $0x2;
	s19 =	sadd.s32 $0xC750, s1;
	[dreg:$0x7] =	wrdreg s18  }
0xa: {  	s28 =	simm.s32 $0x3;
	s20 =	sadd.s32 $0xF824, s1;
	[dreg:$0x8] =	wrdreg s19  }
0xb: {  	p0 =	por $0x0, $0x0;
	s21 =	sadd.s32 $0x128F8, s1;
	[dreg:$0x9] =	wrdreg s20  }
0xc: {  	s3 =	sand.u32 $0x1, s3;
	s22 =	sadd.s32 $0x159CC, s1;
	[dreg:$0xa] =	wrdreg s21  }
0xd: {  	s4 =	sshll.u32 s4, $0x7;
	s23 =	sadd.s32 $0x18AA0, s1;
	[dreg:$0xb] =	wrdreg s22  }
0xe: {  	s5 =	sshll.u32 s3, $0x6;
	s3 =	ssub.s32 $0x2, s3;
	[dreg:$0xc] =	wrdreg s23  }
0xf: {  	s22 =	simm.s32 $0x400;
	s20 =	simm.s32 $0x600;
	s18 =	simm.s32 $0x800  }
0x10: {  	s16 =	simm.s32 $0xA00;
	s23 =	simm.s32 $0x6;
	s21 =	simm.s32 $0x7  }
0x11: {  	s19 =	simm.s32 $0x8;
	s4 =	sor.u32 s5, s4;
	s24 =	sshrl.u32 s3, $0x1  }
0x12: {  	s0 =	sadd.s32 s0, s4;
	s4 =	sadd.s32 s4, s1;
	s1 =	ssub.s32 s3, s24  }
0x13: {  	s17 =	simm.s32 $0x9;
	s24 =	simm.s32 $0x200;
	s26 =	smax.u32 s1, $0x1  }
0x14: {  	s3 =	simm.s32 $0xA;
	[dreg:$0x4] =	wrdreg s0;
	p1 =	sne.s32 s26, $0x1  }
.Ltmp0:
0x15: {  	s25 =	sadd.s32 $0x1BC00, s4;
	s15 =	sadd.s32 $0x1C400, s4;
	(pc) =	sbr.rel @!p1 .LBB2_3-.Ltmp0, $4  }
0x16: {  	s13 =	sadd.s32 $0x1CC00, s4;
	s11 =	sadd.s32 $0x1D400, s4;
	s9 =	sadd.s32 $0x1DC00, s4  }
0x17: {  	s7 =	sadd.s32 $0x1E400, s4;
	s6 =	sadd.s32 $0x1EC00, s4;
	s5 =	sadd.s32 $0x1F400, s4  }
0x18: {  	s4 =	sadd.s32 $0x1FC00, s4;
	[dreg:$0xd] =	wrdreg s25;
	s25 =	simm.s32 $0x4  }
0x19: {  	s0 =	sadd.s32 $0xFFFFFFFF, s26;
	s26 =	simm.s32 $0x5;
	s1 =	rddreg [dreg:$0x4]  }
0x1a: {  	[tilespmem:s2], [sflag:$0xB] =	stream.linear.gather [hbm4b:s1+s2], $0x200, $0x38;
	[tilespmem:$0x1400] =	vst v63  }
0x1b: {  	_ =	swait.ge [sflag:s31], $0x200  }
0x1c: {  	[dreg:$0xe] =	wrdreg s0;
	[sflag:s31] =	ssyncset.done $0x0  }
0x1d: {  	s1 =	rddreg [dreg:$0x3];
	[sflag:s31] =	ssyncadd.s32 $0xFFFFFE00  }
0x1e: {  	[tilespmem:s24], [sflag:$0x1] =	stream.indirect.gather [hbm4b:s1+s24], $0x1, s2, s24, $0xb8;
	[tilespmem:$0x1400] =	vst v63  }
0x1f: {  	s0 =	rddreg [dreg:$0x5]  }
0x20: {  	[tilespmem:s22], [sflag:$0x2] =	stream.indirect.gather [hbm4b:s0+s24], $0x1, s2, s24, $0xb8;
	[tilespmem:$0x1400] =	vst v63  }
0x21: {  	s1 =	rddreg [dreg:$0x6]  }
0x22: {  	[tilespmem:s20], [sflag:$0x3] =	stream.indirect.gather [hbm4b:s1+s24], $0x1, s2, s24, $0xb8;
	[tilespmem:$0x1400] =	vst v63  }
0x23: {  	s0 =	rddreg [dreg:$0x7]  }
0x24: {  	[tilespmem:s18], [sflag:$0x4] =	stream.indirect.gather [hbm4b:s0+s24], $0x1, s2, s24, $0xb8;
	[tilespmem:$0x1400] =	vst v63  }
0x25: {  	s1 =	rddreg [dreg:$0x8]  }
0x26: {  	[tilespmem:s16], [sflag:$0x5] =	stream.indirect.gather [hbm4b:s1+s24], $0x1, s2, s24, $0xb8;
	[tilespmem:$0x1400] =	vst v63  }
0x27: {  	s0 =	rddreg [dreg:$0x9]  }
0x28: {  	[tilespmem:s14], [sflag:$0x6] =	stream.indirect.gather [hbm4b:s0+s24], $0x1, s2, s24, $0xb8;
	[tilespmem:$0x1400] =	vst v63  }
0x29: {  	s1 =	rddreg [dreg:$0xa]  }
0x2a: {  	[tilespmem:s12], [sflag:$0x7] =	stream.indirect.gather [hbm4b:s1+s24], $0x1, s2, s24, $0xb8;
	[tilespmem:$0x1400] =	vst v63  }
0x2b: {  	s0 =	rddreg [dreg:$0xb]  }
0x2c: {  	[tilespmem:s10], [sflag:$0x8] =	stream.indirect.gather [hbm4b:s0+s24], $0x1, s2, s24, $0xb8;
	[tilespmem:$0x1400] =	vst v63  }
0x2d: {  	s1 =	rddreg [dreg:$0xc]  }
0x2e: {  	[tilespmem:s8], [sflag:$0x9] =	stream.indirect.gather [hbm4b:s1+s24], $0x1, s2, s24, $0xb8;
	[tilespmem:$0x1400] =	vst v63  }
0x2f: {  	_ =	swait.ge [sflag:s30], $0x200  }
0x30: {  	[sflag:s30] =	ssyncset.done $0x0  }
0x31: {  	s1 =	rddreg [dreg:$0xd];
	[sflag:s30] =	ssyncadd.s32 $0xFFFFFE00  }
0x32: {  	[hbm4b:s1+s2] =	stream.linear.scatter [tilespmem:s24], [sflag:$0xA], $0x200, $0x38;
	[tilespmem:$0x1400] =	vst v63  }
0x33: {  	_ =	swait.ge [sflag:s29], $0x200  }
0x34: {  	[sflag:s29] =	ssyncset.done $0x0  }
0x35: {  	[sflag:s29] =	ssyncadd.s32 $0xFFFFFE00  }
0x36: {  	[hbm4b:s15+s2] =	stream.linear.scatter [tilespmem:s22], [sflag:$0xA], $0x200, $0x38;
	[tilespmem:$0x1400] =	vst v63  }
0x37: {  	_ =	swait.ge [sflag:s28], $0x200  }
0x38: {  	[sflag:s28] =	ssyncset.done $0x0  }
0x39: {  	[sflag:s28] =	ssyncadd.s32 $0xFFFFFE00  }
0x3a: {  	[hbm4b:s13+s2] =	stream.linear.scatter [tilespmem:s20], [sflag:$0xA], $0x200, $0x38;
	[tilespmem:$0x1400] =	vst v63  }
0x3b: {  	_ =	swait.ge [sflag:s25], $0x200  }
0x3c: {  	[sflag:s25] =	ssyncset.done $0x0  }
0x3d: {  	[sflag:s25] =	ssyncadd.s32 $0xFFFFFE00  }
0x3e: {  	[hbm4b:s11+s2] =	stream.linear.scatter [tilespmem:s18], [sflag:$0xA], $0x200, $0x38;
	[tilespmem:$0x1400] =	vst v63  }
0x3f: {  	_ =	swait.ge [sflag:s26], $0x200  }
0x40: {  	[sflag:s26] =	ssyncset.done $0x0  }
0x41: {  	[sflag:s26] =	ssyncadd.s32 $0xFFFFFE00  }
0x42: {  	[hbm4b:s9+s2] =	stream.linear.scatter [tilespmem:s16], [sflag:$0xA], $0x200, $0x38;
	[tilespmem:$0x1400] =	vst v63  }
0x43: {  	_ =	swait.ge [sflag:s23], $0x200  }
0x44: {  	[sflag:s23] =	ssyncset.done $0x0  }
0x45: {  	[sflag:s23] =	ssyncadd.s32 $0xFFFFFE00  }
0x46: {  	[hbm4b:s7+s2] =	stream.linear.scatter [tilespmem:s14], [sflag:$0xA], $0x200, $0x38;
	[tilespmem:$0x1400] =	vst v63  }
0x47: {  	_ =	swait.ge [sflag:s21], $0x200  }
0x48: {  	[sflag:s21] =	ssyncset.done $0x0  }
0x49: {  	[sflag:s21] =	ssyncadd.s32 $0xFFFFFE00  }
0x4a: {  	[hbm4b:s6+s2] =	stream.linear.scatter [tilespmem:s12], [sflag:$0xA], $0x200, $0x38;
	[tilespmem:$0x1400] =	vst v63  }
0x4b: {  	_ =	swait.ge [sflag:s19], $0x200  }
0x4c: {  	[sflag:s19] =	ssyncset.done $0x0  }
0x4d: {  	[sflag:s19] =	ssyncadd.s32 $0xFFFFFE00  }
0x4e: {  	[hbm4b:s5+s2] =	stream.linear.scatter [tilespmem:s10], [sflag:$0xA], $0x200, $0x38;
	[tilespmem:$0x1400] =	vst v63  }
0x4f: {  	_ =	swait.ge [sflag:s17], $0x200  }
0x50: {  	[sflag:s17] =	ssyncset.done $0x0  }
0x51: {  	[sflag:s17] =	ssyncadd.s32 $0xFFFFFE00  }
0x52: {  	[hbm4b:s4+s2] =	stream.linear.scatter [tilespmem:s8], [sflag:$0xA], $0x200, $0x38;
	[tilespmem:$0x1400] =	vst v63  }
0x53: {  	_ =	swait.ge [sflag:s3], $0x200  }
0x54: {  	[sflag:s3] =	ssyncset.done $0x0  }
0x55: {  	[sflag:s3] =	ssyncadd.s32 $0xFFFFFE00  }
0x56: {  	_ =	swait.ge [sflag:s3], $0x200  }
0x57: {  	[sflag:s3] =	ssyncset.done $0x0  }
0x58: {  	[sflag:s3] =	ssyncadd.s32 $0xFFFFFE00  }
0x59: {  	_ =	swait.ge [sflag:s3], $0x200  }
0x5a: {  	[sflag:s3] =	ssyncset.done $0x0  }
0x5b: {  	[sflag:s3] =	ssyncadd.s32 $0xFFFFFE00  }
0x5c: {  	_ =	swait.ge [sflag:s3], $0x200  }
0x5d: {  	[sflag:s3] =	ssyncset.done $0x0  }
0x5e: {  	[sflag:s3] =	ssyncadd.s32 $0xFFFFFE00  }
0x5f: {  	_ =	swait.ge [sflag:s3], $0x200  }
0x60: {  	[sflag:s3] =	ssyncset.done $0x0  }
0x61: {  	[sflag:s3] =	ssyncadd.s32 $0xFFFFFE00  }
0x62: {  	_ =	swait.ge [sflag:s3], $0x200  }
0x63: {  	[sflag:s3] =	ssyncset.done $0x0  }
0x64: {  	[sflag:s3] =	ssyncadd.s32 $0xFFFFFE00  }
0x65: {  	_ =	swait.ge [sflag:s3], $0x200  }
0x66: {  	[sflag:s3] =	ssyncset.done $0x0  }
0x67: {  	[sflag:s3] =	ssyncadd.s32 $0xFFFFFE00  }
0x68: {  	_ =	swait.ge [sflag:s3], $0x200  }
0x69: {  	s1 =	rddreg [dreg:$0xe]  }
0x6a: {  	p1 =	sne.s32 s1, $0x1  }
.Ltmp1:
0x6b: {  	_ = 	snop;
	(pc) =	sbr.rel @!p1 .LBB2_3-.Ltmp1, $4  }
0x6c: {  	[sflag:s3] =	ssyncset.done $0x0  }
0x6d: {  	[sflag:s3] =	ssyncadd.s32 $0xFFFFFE00  }
0x6e: {  	p0 =	por $0x1, $0x1;
	_ =	swait.ge [sflag:s3], $0x200  }
0x6f: {  	s0 =	sadd.s32 $0xFFFFFFFF, s1;
	s1 =	rddreg [dreg:$0x4];
	[sflag:s3] =	ssyncset.done $0x0  }
.LBB2_2:
0x70: {  	[sflag:s3] =	ssyncadd.s32 $0xFFFFFE00  }
0x71: {  	[tilespmem:s2], [sflag:$0xB] =	stream.linear.gather [hbm4b:s1+s2], $0x200, $0x38;
	[tilespmem:$0x1400] =	vst v63  }
0x72: {  	_ =	swait.ge [sflag:s31], $0x200  }
0x73: {  	s8 =	smov.u32 s7;
	[sflag:s31] =	ssyncset.done $0x0  }
0x74: {  	s7 =	smov.u32 s6;
	s1 =	rddreg [dreg:$0x3];
	[sflag:s31] =	ssyncadd.s32 $0xFFFFFE00  }
0x75: {  	[tilespmem:s24], [sflag:$0x1] =	stream.indirect.gather [hbm4b:s1+s24], $0x1, s2, s24, $0xb8;
	[tilespmem:$0x1400] =	vst v63  }
0x76: {  	s6 =	smov.u32 s5;
	s5 =	smov.u32 s4;
	s4 =	rddreg [dreg:$0x5]  }
0x77: {  	[tilespmem:s22], [sflag:$0x2] =	stream.indirect.gather [hbm4b:s4+s24], $0x1, s2, s24, $0xb8;
	[tilespmem:$0x1400] =	vst v63  }
0x78: {  	s1 =	rddreg [dreg:$0x6]  }
0x79: {  	[tilespmem:s20], [sflag:$0x3] =	stream.indirect.gather [hbm4b:s1+s24], $0x1, s2, s24, $0xb8;
	[tilespmem:$0x1400] =	vst v63  }
0x7a: {  	s4 =	rddreg [dreg:$0x7]  }
0x7b: {  	[tilespmem:s18], [sflag:$0x4] =	stream.indirect.gather [hbm4b:s4+s24], $0x1, s2, s24, $0xb8;
	[tilespmem:$0x1400] =	vst v63  }
0x7c: {  	s1 =	rddreg [dreg:$0x8]  }
0x7d: {  	[tilespmem:s16], [sflag:$0x5] =	stream.indirect.gather [hbm4b:s1+s24], $0x1, s2, s24, $0xb8;
	[tilespmem:$0x1400] =	vst v63  }
0x7e: {  	s4 =	rddreg [dreg:$0x9]  }
0x7f: {  	[tilespmem:s14], [sflag:$0x6] =	stream.indirect.gather [hbm4b:s4+s24], $0x1, s2, s24, $0xb8;
	[tilespmem:$0x1400] =	vst v63  }
0x80: {  	s1 =	rddreg [dreg:$0xa]  }
0x81: {  	[tilespmem:s12], [sflag:$0x7] =	stream.indirect.gather [hbm4b:s1+s24], $0x1, s2, s24, $0xb8;
	[tilespmem:$0x1400] =	vst v63  }
0x82: {  	s4 =	rddreg [dreg:$0xb]  }
0x83: {  	[tilespmem:s10], [sflag:$0x8] =	stream.indirect.gather [hbm4b:s4+s24], $0x1, s2, s24, $0xb8;
	[tilespmem:$0x1400] =	vst v63  }
0x84: {  	s1 =	rddreg [dreg:$0xc];
	s4 =	smov.u32 s5;
	s5 =	smov.u32 s6  }
0x85: {  	s6 =	smov.u32 s7;
	s7 =	smov.u32 s8;
	s8 =	simm.s32 $0x1200  }
0x86: {  	[tilespmem:s8], [sflag:$0x9] =	stream.indirect.gather [hbm4b:s1+s24], $0x1, s2, s24, $0xb8;
	[tilespmem:$0x1400] =	vst v63  }
0x87: {  	_ =	swait.ge [sflag:s30], $0x200  }
0x88: {  	[sflag:s30] =	ssyncset.done $0x0  }
0x89: {  	s1 =	rddreg [dreg:$0xd];
	[sflag:s30] =	ssyncadd.s32 $0xFFFFFE00  }
0x8a: {  	[hbm4b:s1+s2] =	stream.linear.scatter [tilespmem:s24], [sflag:$0xA], $0x200, $0x38;
	[tilespmem:$0x1400] =	vst v63  }
0x8b: {  	_ =	swait.ge [sflag:s29], $0x200  }
0x8c: {  	[sflag:s29] =	ssyncset.done $0x0  }
0x8d: {  	[sflag:s29] =	ssyncadd.s32 $0xFFFFFE00  }
0x8e: {  	[hbm4b:s15+s2] =	stream.linear.scatter [tilespmem:s22], [sflag:$0xA], $0x200, $0x38;
	[tilespmem:$0x1400] =	vst v63  }
0x8f: {  	_ =	swait.ge [sflag:s28], $0x200  }
0x90: {  	[sflag:s28] =	ssyncset.done $0x0  }
0x91: {  	[sflag:s28] =	ssyncadd.s32 $0xFFFFFE00  }
0x92: {  	[hbm4b:s13+s2] =	stream.linear.scatter [tilespmem:s20], [sflag:$0xA], $0x200, $0x38;
	[tilespmem:$0x1400] =	vst v63  }
0x93: {  	_ =	swait.ge [sflag:s25], $0x200  }
0x94: {  	[sflag:s25] =	ssyncset.done $0x0  }
0x95: {  	[sflag:s25] =	ssyncadd.s32 $0xFFFFFE00  }
0x96: {  	[hbm4b:s11+s2] =	stream.linear.scatter [tilespmem:s18], [sflag:$0xA], $0x200, $0x38;
	[tilespmem:$0x1400] =	vst v63  }
0x97: {  	_ =	swait.ge [sflag:s26], $0x200  }
0x98: {  	[sflag:s26] =	ssyncset.done $0x0  }
0x99: {  	[sflag:s26] =	ssyncadd.s32 $0xFFFFFE00  }
0x9a: {  	[hbm4b:s9+s2] =	stream.linear.scatter [tilespmem:s16], [sflag:$0xA], $0x200, $0x38;
	[tilespmem:$0x1400] =	vst v63  }
0x9b: {  	_ =	swait.ge [sflag:s23], $0x200  }
0x9c: {  	[sflag:s23] =	ssyncset.done $0x0  }
0x9d: {  	[sflag:s23] =	ssyncadd.s32 $0xFFFFFE00  }
0x9e: {  	[hbm4b:s7+s2] =	stream.linear.scatter [tilespmem:s14], [sflag:$0xA], $0x200, $0x38;
	[tilespmem:$0x1400] =	vst v63  }
0x9f: {  	_ =	swait.ge [sflag:s21], $0x200  }
0xa0: {  	[sflag:s21] =	ssyncset.done $0x0  }
0xa1: {  	[sflag:s21] =	ssyncadd.s32 $0xFFFFFE00  }
0xa2: {  	[hbm4b:s6+s2] =	stream.linear.scatter [tilespmem:s12], [sflag:$0xA], $0x200, $0x38;
	[tilespmem:$0x1400] =	vst v63  }
0xa3: {  	_ =	swait.ge [sflag:s19], $0x200  }
0xa4: {  	[sflag:s19] =	ssyncset.done $0x0  }
0xa5: {  	[sflag:s19] =	ssyncadd.s32 $0xFFFFFE00  }
0xa6: {  	[hbm4b:s5+s2] =	stream.linear.scatter [tilespmem:s10], [sflag:$0xA], $0x200, $0x38;
	[tilespmem:$0x1400] =	vst v63  }
0xa7: {  	_ =	swait.ge [sflag:s17], $0x200  }
0xa8: {  	[sflag:s17] =	ssyncset.done $0x0  }
0xa9: {  	[sflag:s17] =	ssyncadd.s32 $0xFFFFFE00  }
0xaa: {  	[hbm4b:s4+s2] =	stream.linear.scatter [tilespmem:s8], [sflag:$0xA], $0x200, $0x38;
	[tilespmem:$0x1400] =	vst v63  }
0xab: {  	_ =	swait.ge [sflag:s3], $0x200  }
0xac: {  	[sflag:s3] =	ssyncset.done $0x0  }
0xad: {  	[sflag:s3] =	ssyncadd.s32 $0xFFFFFE00  }
0xae: {  	_ =	swait.ge [sflag:s3], $0x200  }
0xaf: {  	[sflag:s3] =	ssyncset.done $0x0  }
0xb0: {  	[sflag:s3] =	ssyncadd.s32 $0xFFFFFE00  }
0xb1: {  	_ =	swait.ge [sflag:s3], $0x200  }
0xb2: {  	[sflag:s3] =	ssyncset.done $0x0  }
0xb3: {  	[sflag:s3] =	ssyncadd.s32 $0xFFFFFE00  }
0xb4: {  	_ =	swait.ge [sflag:s3], $0x200  }
0xb5: {  	[sflag:s3] =	ssyncset.done $0x0  }
0xb6: {  	[sflag:s3] =	ssyncadd.s32 $0xFFFFFE00  }
0xb7: {  	_ =	swait.ge [sflag:s3], $0x200  }
0xb8: {  	[sflag:s3] =	ssyncset.done $0x0  }
0xb9: {  	[sflag:s3] =	ssyncadd.s32 $0xFFFFFE00  }
0xba: {  	_ =	swait.ge [sflag:s3], $0x200  }
0xbb: {  	[sflag:s3] =	ssyncset.done $0x0  }
0xbc: {  	[sflag:s3] =	ssyncadd.s32 $0xFFFFFE00  }
0xbd: {  	_ =	swait.ge [sflag:s3], $0x200  }
0xbe: {  	[sflag:s3] =	ssyncset.done $0x0  }
0xbf: {  	p1 =	sne.s32 s0, $0x1;
	[sflag:s3] =	ssyncadd.s32 $0xFFFFFE00  }
.Ltmp2:
0xc0: {  	_ =	swait.ge [sflag:s3], $0x200;
	(pc) =	sbr.rel @p1 .LBB2_2-.Ltmp2, $4  }
0xc1: {  	[sflag:s3] =	ssyncset.done $0x0  }
0xc2: {  	[sflag:s3] =	ssyncadd.s32 $0xFFFFFE00  }
0xc3: {  	_ =	swait.ge [sflag:s3], $0x200  }
0xc4: {  	s0 =	sadd.s32 $0xFFFFFFFF, s0;
	s1 =	rddreg [dreg:$0x4];
	[sflag:s3] =	ssyncset.done $0x0  }
.LBB2_3:
0xc5: {  	[sflag:s3] =	ssyncadd.s32 @p0 $0xFFFFFE00  }
0xc6: {  	[tilespmem:s2], [sflag:$0xB] =	stream.linear.gather [hbm4b:s1+s2], $0x200, $0x38;
	[tilespmem:$0x1400] =	vst v63  }
0xc7: {  	_ =	swait.ge [sflag:s31], $0x200  }
0xc8: {  	[sflag:s31] =	ssyncset.done $0x0  }
0xc9: {  	s0 =	rddreg [dreg:$0x3];
	[sflag:s31] =	ssyncadd.s32 $0xFFFFFE00  }
0xca: {  	[tilespmem:s24], [sflag:$0x1] =	stream.indirect.gather [hbm4b:s0+s24], $0x1, s2, s24, $0xb8;
	[tilespmem:$0x1400] =	vst v63  }
0xcb: {  	s1 =	rddreg [dreg:$0x5]  }
0xcc: {  	[tilespmem:s22], [sflag:$0x2] =	stream.indirect.gather [hbm4b:s1+s24], $0x1, s2, s24, $0xb8;
	[tilespmem:$0x1400] =	vst v63  }
0xcd: {  	s31 =	rddreg [dreg:$0x6]  }
0xce: {  	[tilespmem:s20], [sflag:$0x3] =	stream.indirect.gather [hbm4b:s31+s24], $0x1, s2, s24, $0xb8;
	[tilespmem:$0x1400] =	vst v63  }
0xcf: {  	s1 =	rddreg [dreg:$0x7]  }
0xd0: {  	[tilespmem:s18], [sflag:$0x4] =	stream.indirect.gather [hbm4b:s1+s24], $0x1, s2, s24, $0xb8;
	[tilespmem:$0x1400] =	vst v63  }
0xd1: {  	s31 =	rddreg [dreg:$0x8]  }
0xd2: {  	[tilespmem:s16], [sflag:$0x5] =	stream.indirect.gather [hbm4b:s31+s24], $0x1, s2, s24, $0xb8;
	[tilespmem:$0x1400] =	vst v63  }
0xd3: {  	s1 =	rddreg [dreg:$0x9]  }
0xd4: {  	[tilespmem:s14], [sflag:$0x6] =	stream.indirect.gather [hbm4b:s1+s24], $0x1, s2, s24, $0xb8;
	[tilespmem:$0x1400] =	vst v63  }
0xd5: {  	s31 =	rddreg [dreg:$0xa]  }
0xd6: {  	[tilespmem:s12], [sflag:$0x7] =	stream.indirect.gather [hbm4b:s31+s24], $0x1, s2, s24, $0xb8;
	[tilespmem:$0x1400] =	vst v63  }
0xd7: {  	s1 =	rddreg [dreg:$0xb]  }
0xd8: {  	[tilespmem:s10], [sflag:$0x8] =	stream.indirect.gather [hbm4b:s1+s24], $0x1, s2, s24, $0xb8;
	[tilespmem:$0x1400] =	vst v63  }
0xd9: {  	s31 =	rddreg [dreg:$0xc]  }
0xda: {  	[tilespmem:s8], [sflag:$0x9] =	stream.indirect.gather [hbm4b:s31+s24], $0x1, s2, s24, $0xb8;
	[tilespmem:$0x1400] =	vst v63  }
0xdb: {  	_ =	swait.ge [sflag:s30], $0x200  }
0xdc: {  	[sflag:s30] =	ssyncset.done $0x0  }
0xdd: {  	s1 =	rddreg [dreg:$0xd];
	[sflag:s30] =	ssyncadd.s32 $0xFFFFFE00  }
0xde: {  	[hbm4b:s1+s2] =	stream.linear.scatter [tilespmem:s24], [sflag:$0xA], $0x200, $0x38;
	[tilespmem:$0x1400] =	vst v63  }
0xdf: {  	_ =	swait.ge [sflag:s29], $0x200  }
0xe0: {  	[sflag:s29] =	ssyncset.done $0x0  }
0xe1: {  	[sflag:s29] =	ssyncadd.s32 $0xFFFFFE00  }
0xe2: {  	[hbm4b:s15+s2] =	stream.linear.scatter [tilespmem:s22], [sflag:$0xA], $0x200, $0x38;
	[tilespmem:$0x1400] =	vst v63  }
0xe3: {  	_ =	swait.ge [sflag:s28], $0x200  }
0xe4: {  	[sflag:s28] =	ssyncset.done $0x0  }
0xe5: {  	[sflag:s28] =	ssyncadd.s32 $0xFFFFFE00  }
0xe6: {  	[hbm4b:s13+s2] =	stream.linear.scatter [tilespmem:s20], [sflag:$0xA], $0x200, $0x38;
	[tilespmem:$0x1400] =	vst v63  }
0xe7: {  	_ =	swait.ge [sflag:s25], $0x200  }
0xe8: {  	[sflag:s25] =	ssyncset.done $0x0  }
0xe9: {  	[sflag:s25] =	ssyncadd.s32 $0xFFFFFE00  }
0xea: {  	[hbm4b:s11+s2] =	stream.linear.scatter [tilespmem:s18], [sflag:$0xA], $0x200, $0x38;
	[tilespmem:$0x1400] =	vst v63  }
0xeb: {  	_ =	swait.ge [sflag:s26], $0x200  }
0xec: {  	[sflag:s26] =	ssyncset.done $0x0  }
0xed: {  	[sflag:s26] =	ssyncadd.s32 $0xFFFFFE00  }
0xee: {  	[hbm4b:s9+s2] =	stream.linear.scatter [tilespmem:s16], [sflag:$0xA], $0x200, $0x38;
	[tilespmem:$0x1400] =	vst v63  }
0xef: {  	_ =	swait.ge [sflag:s23], $0x200  }
0xf0: {  	[sflag:s23] =	ssyncset.done $0x0  }
0xf1: {  	[sflag:s23] =	ssyncadd.s32 $0xFFFFFE00  }
0xf2: {  	[hbm4b:s7+s2] =	stream.linear.scatter [tilespmem:s14], [sflag:$0xA], $0x200, $0x38;
	[tilespmem:$0x1400] =	vst v63  }
0xf3: {  	_ =	swait.ge [sflag:s21], $0x200  }
0xf4: {  	[sflag:s21] =	ssyncset.done $0x0  }
0xf5: {  	[sflag:s21] =	ssyncadd.s32 $0xFFFFFE00  }
0xf6: {  	[hbm4b:s6+s2] =	stream.linear.scatter [tilespmem:s12], [sflag:$0xA], $0x200, $0x38;
	[tilespmem:$0x1400] =	vst v63  }
0xf7: {  	_ =	swait.ge [sflag:s19], $0x200  }
0xf8: {  	[sflag:s19] =	ssyncset.done $0x0  }
0xf9: {  	[sflag:s19] =	ssyncadd.s32 $0xFFFFFE00  }
0xfa: {  	[hbm4b:s5+s2] =	stream.linear.scatter [tilespmem:s10], [sflag:$0xA], $0x200, $0x38;
	[tilespmem:$0x1400] =	vst v63  }
0xfb: {  	_ =	swait.ge [sflag:s17], $0x200  }
0xfc: {  	[sflag:s17] =	ssyncset.done $0x0  }
0xfd: {  	[sflag:s17] =	ssyncadd.s32 $0xFFFFFE00  }
0xfe: {  	[hbm4b:s4+s2] =	stream.linear.scatter [tilespmem:s8], [sflag:$0xA], $0x200, $0x38;
	[tilespmem:$0x1400] =	vst v63  }
0xff: {  	_ =	swait.ge [sflag:s3], $0x200  }
0x100: {  	[sflag:s3] =	ssyncset.done $0x0  }
0x101: {  	[sflag:s3] =	ssyncadd.s32 $0xFFFFFE00  }
0x102: {  	_ =	swait.ge [sflag:s3], $0x200  }
0x103: {  	[sflag:s3] =	ssyncset.done $0x0  }
0x104: {  	[sflag:s3] =	ssyncadd.s32 $0xFFFFFE00  }
0x105: {  	_ =	swait.ge [sflag:s3], $0x200  }
0x106: {  	[sflag:s3] =	ssyncset.done $0x0  }
0x107: {  	[sflag:s3] =	ssyncadd.s32 $0xFFFFFE00  }
0x108: {  	_ =	swait.ge [sflag:s3], $0x200  }
0x109: {  	[sflag:s3] =	ssyncset.done $0x0  }
0x10a: {  	[sflag:s3] =	ssyncadd.s32 $0xFFFFFE00  }
0x10b: {  	_ =	swait.ge [sflag:s3], $0x200  }
0x10c: {  	[sflag:s3] =	ssyncset.done $0x0  }
0x10d: {  	[sflag:s3] =	ssyncadd.s32 $0xFFFFFE00  }
0x10e: {  	_ =	swait.ge [sflag:s3], $0x200  }
0x10f: {  	[sflag:s3] =	ssyncset.done $0x0  }
0x110: {  	[sflag:s3] =	ssyncadd.s32 $0xFFFFFE00  }
0x111: {  	_ =	swait.ge [sflag:s3], $0x200  }
0x112: {  	[sflag:s3] =	ssyncset.done $0x0  }
0x113: {  	[sflag:s3] =	ssyncadd.s32 $0xFFFFFE00  }
0x114: {  	_ =	swait.ge [sflag:s3], $0x200  }
0x115: {  	[sflag:s3] =	ssyncset.done $0x0  }
0x116: {  	[sflag:s3] =	ssyncadd.s32 $0xFFFFFE00  }
0x117: {  	_ =	swait.ge [sflag:s3], $0x200  }
0x118: {  	[sflag:s3] =	ssyncset.done $0x0  }
0x119: {  	[sflag:s3] =	ssyncadd.s32 $0xFFFFFE00  }
0x11a: {  	_ =	sfence.sel $0x180000  }
0x11b: {  	[bflag:$0x0] =	sbarrier.arrive $0xFFFF  }
0x11c: {  	_ =	strace $0x90000047  }
0x11d: {  	s31 =	stileid.u32;
	[bflag:$0x2] =	sbarrier.arrive $0xFFFF  }
0x11e: {  	p0 =	sne.s32 s31, $0x0;
	s0 =	rddreg [dreg:$0x2]  }
0x11f: {  	s0 =	sadd.s32 @!p0 $0x100000, s0  }
0x120: {  	[sflag:s0] =	ssyncadd.tile.s32 @!p0 $0x1;
	_ =	shalt  }
.Lfunc_end2:
_tile_overlayer_lowered:
.L_overlay_start_2:
0x121: {  	(tag) =	ssettag $0x2  }
0x122: {  	s0 =	rddreg [dreg:$0x0];
	s2 =	stileid.u32  }
0x123: {  	s1 =	rddreg [dreg:$0x1];
	p0 =	sne.s32 s2, $0x0  }
0x124: {  	s3 =	rddreg [dreg:$0x2];
	[bflag:$0x3] =	sbarrier.arrive $0xFFFF;
	s2 =	simm.s32 @!p0 $0x1C0B  }
0x125: {  	[timem:s3], [sflag:s2] =	dma.local @!p0 [hbm:s0], s1  }
0x126: {  	s0 =	simm.s32 @!p0 $0xB  }
0x127: {  	_ =	swait.ge @!p0 [sflag:s0], s1  }
0x128: {  	s1 =	ssub.s32 @!p0 $0x0, s1;
	[sflag:s0] =	ssyncset.done @!p0 $0x0  }
0x129: {  	[sflag:s0] =	ssyncadd.s32 @!p0 s1  }
0x12a: {  	[bflag:$0x3] =	sbarrier.arrive $0xFFFF  }
0x12b: {  	_ =	shalt  }

</sc_bundles>
